<compile_context>
chip_gen: v7x
topology: tpu7x:2x2x1
jax: 0.10.2.dev20260603
libtpu: 0.0.44.dev20260713+nightly
codegen_flags: <defaults>
</compile_context>

<pallas_src>
import functools

import jax
import jax.numpy as jnp
from jax import lax
from jax.experimental import pallas as pl
from jax.experimental.pallas import tpu as pltpu
from jax.experimental.pallas import tpu_sc as plsc


_DN = (((1,), (0,)), ((), ()))


def _scores_body(h_ref, w1_ref, b1_ref, w2_ref, s_ref):
    x = h_ref[...]
    w1 = w1_ref[...]
    z = (jnp.dot(x[:, :256], w1[:256, :], preferred_element_type=jnp.float32)
         + jnp.dot(x[:, 256:], w1[256:, :], preferred_element_type=jnp.float32))
    t16 = jnp.tanh(z + b1_ref[...]).astype(jnp.bfloat16)
    w2 = w2_ref[...]
    s_ref[...] = (
        lax.dot_general(t16[:, :256], w2[:256, :], _DN,
                        preferred_element_type=jnp.float32)
        + lax.dot_general(t16[:, 256:], w2[256:, :], _DN,
                          preferred_element_type=jnp.float32))


def _scores_call(h2d, W1, b1, w2, tn=1024):
    M, F = h2d.shape
    return pl.pallas_call(
        _scores_body,
        grid=(M // tn,),
        in_specs=[
            pl.BlockSpec((tn, F), lambda i: (i, 0)),
            pl.BlockSpec((F, F), lambda i: (0, 0)),
            pl.BlockSpec((1, F), lambda i: (0, 0)),
            pl.BlockSpec((F, 1), lambda i: (0, 0)),
        ],
        out_specs=pl.BlockSpec((tn, 1), lambda i: (i, 0)),
        out_shape=jax.ShapeDtypeStruct((M, 1), jnp.float32),
    )(h2d, W1, b1.reshape(1, F), w2.reshape(F, 1))


def _rank_body(srow_ref, scol_ref, gidx_ref, *, n, c, k, dump):
    b = pl.program_id(0)
    nc = n // c
    for icnk in range(nc):
        si = srow_ref[0, 0:1, icnk * c:(icnk + 1) * c]
        cnt = jnp.zeros((1, c), jnp.int32)
        for jcnk in range(nc):
            sj = scol_ref[0, jcnk * c:(jcnk + 1) * c, 0:1]
            if jcnk < icnk:
                m = sj >= si
            elif jcnk > icnk:
                m = sj > si
            else:
                jj = lax.broadcasted_iota(jnp.int32, (c, c), 0)
                ii = lax.broadcasted_iota(jnp.int32, (c, c), 1)
                m = (sj > si) | ((sj == si) & (jj < ii))
            ones = jnp.where(m, jnp.int32(1), jnp.int32(0))
            cnt = cnt + jnp.sum(ones, axis=0, keepdims=True)
        gidx_ref[0, 0:1, icnk * c:(icnk + 1) * c] = jnp.where(
            cnt < k, b * k + cnt, dump
        )


def _rank_call(scores, k, dump, c=512):
    B, N = scores.shape
    body = functools.partial(_rank_body, n=N, c=c, k=k, dump=dump)
    return pl.pallas_call(
        body,
        grid=(B,),
        in_specs=[
            pl.BlockSpec((1, 1, N), lambda b: (b, 0, 0)),
            pl.BlockSpec((1, N, 1), lambda b: (b, 0, 0)),
        ],
        out_specs=pl.BlockSpec((1, 1, N), lambda b: (b, 0, 0)),
        out_shape=jax.ShapeDtypeStruct((B, 1, N), jnp.int32),
    )(scores.reshape(B, 1, N), scores.reshape(B, N, 1))


_CH = 16


def _make_scatter(M, F, nch, out_rows):
    mesh = plsc.VectorSubcoreMesh(core_axis_name="c", subcore_axis_name="s")

    nbuf = 8

    @functools.partial(
        pl.kernel,
        mesh=mesh,
        out_type=jax.ShapeDtypeStruct((out_rows, F), jnp.float32),
        scratch_types=(
            [pltpu.VMEM((nch, _CH), jnp.int32)]
            + [pltpu.VMEM((_CH, F), jnp.float32) for _ in range(nbuf)]
            + [pltpu.SemaphoreType.DMA for _ in range(nbuf)]
        ),
    )
    def scatter(h_hbm, gidx_hbm, out_hbm, idx_v, *rest):
        bufs = rest[:nbuf]
        sems = rest[nbuf:]
        wid = lax.axis_index("s") * 2 + lax.axis_index("c")
        base = wid * (nch * _CH)
        pltpu.sync_copy(gidx_hbm.at[wid], idx_v)

        def body(g, carry):
            for j in range(nbuf):
                c = g * nbuf + j

                @pl.when(g > 0)
                def _(j=j, c=c):
                    pltpu.make_async_copy(
                        bufs[j], out_hbm.at[idx_v.at[c]], sems[j]).wait()

                pltpu.sync_copy(h_hbm.at[pl.ds(base + c * _CH, _CH)], bufs[j])
                pltpu.async_copy(bufs[j], out_hbm.at[idx_v.at[c]], sems[j])
            return carry

        ngroups = nch // nbuf
        lax.fori_loop(0, ngroups, body, 0)
        for j in range(nbuf):
            pltpu.make_async_copy(
                bufs[j], out_hbm.at[idx_v.at[0]], sems[j]).wait()

    return scatter


def kernel(h, W1, b1, w2, b2):
    B, N, F = h.shape
    K = N // 2
    NW = 32
    rows = B * N
    nch = rows // (NW * _CH)
    dump = B * K
    out_rows = B * K + 8

    h2d = h.reshape(rows, F)
    scores = _scores_call(h2d, W1, b1, w2).reshape(B, N)
    gidx = _rank_call(scores, K, dump).reshape(NW, nch, _CH)
    outp = _make_scatter(rows, F, nch, out_rows)(h2d, gidx)
    return outp[: B * K].reshape(B, K, F)

# --- scband reference (transcript-rebuilt; emitter-appended) ---
"""Pipeline reference for scband-self-attention-graph-pooling-13056700579977 (READ-ONLY COPY).

The authoritative reference and input builder live on the scoring server;
editing this copy changes nothing except your own understanding.
"""

import jax, jax.numpy as jnp
import numpy as np
import math


def setup_inputs(seed: int = 0) -> dict:
    key = jax.random.key(seed)
    k1, k2, k3, k4 = jax.random.split(key, 4)
    in_f = 512
    hidden = 512
    h = jax.random.normal(k1, (16, 4096, in_f), dtype=jnp.float32)
    # fc1: Linear(in_f, hidden) -> weight [hidden, in_f], bias [hidden]
    W1 = jax.random.normal(k2, (in_f, hidden), dtype=jnp.float32) * (1.0 / np.sqrt(in_f))
    b1 = jax.random.uniform(k3, (hidden,), dtype=jnp.float32, minval=-1.0 / np.sqrt(in_f), maxval=1.0 / np.sqrt(in_f))
    # fc2: Linear(hidden, 1) -> weight [1, hidden] stored as vector [hidden], bias scalar
    w2 = jax.random.normal(k4, (hidden,), dtype=jnp.float32) * (1.0 / np.sqrt(hidden))
    b2 = jnp.zeros((), dtype=jnp.float32)
    return {"h": h, "W1": W1, "b1": b1, "w2": w2, "b2": b2}


def reference(h, W1, b1, w2, b2):
    ratio = 0.5
    B, N, _ = h.shape
    # scores = fc2(tanh(fc1(h))).squeeze(-1)
    scores = jnp.tanh(h @ W1 + b1) @ w2 + b2  # [B, N]
    K = max(1, math.ceil(ratio * N))
    _, topk_inds = jax.lax.top_k(scores, K)  # [B, K]
    # A @ h with one-hot A is exactly a gather of the top-K node features (in topk order)
    out = jnp.take_along_axis(h, topk_inds[..., None], axis=1)  # [B, K, in_f]
    return out

if __name__ == "__main__":
    import jax
    _d = setup_inputs()
    print(jax.jit(kernel)(*tuple(_d.values())))

</pallas_src>

<mosaic_0001>
#map = affine_map<(d0, d1) -> (0, 0)>
#map1 = affine_map<(d0, d1) -> (0, 0, 0)>
module attributes {stable_mosaic.version = 14 : i64} {
  func.func @scatter(%arg0: i32, %arg1: i32, %arg2: memref<65536x512xf32, #tpu.memory_space<hbm>>, %arg3: memref<32x128x16xi32, #tpu.memory_space<hbm>>, %arg4: memref<32776x512xf32, #tpu.memory_space<hbm>>, %arg5: memref<128x16xi32, #tpu.memory_space<vmem>>, %arg6: memref<16x512xf32, #tpu.memory_space<vmem>>, %arg7: memref<16x512xf32, #tpu.memory_space<vmem>>, %arg8: memref<16x512xf32, #tpu.memory_space<vmem>>, %arg9: memref<16x512xf32, #tpu.memory_space<vmem>>, %arg10: memref<16x512xf32, #tpu.memory_space<vmem>>, %arg11: memref<16x512xf32, #tpu.memory_space<vmem>>, %arg12: memref<16x512xf32, #tpu.memory_space<vmem>>, %arg13: memref<16x512xf32, #tpu.memory_space<vmem>>, %arg14: memref<!tpu.dma_semaphore, #tpu.memory_space<semaphore_mem>>, %arg15: memref<!tpu.dma_semaphore, #tpu.memory_space<semaphore_mem>>, %arg16: memref<!tpu.dma_semaphore, #tpu.memory_space<semaphore_mem>>, %arg17: memref<!tpu.dma_semaphore, #tpu.memory_space<semaphore_mem>>, %arg18: memref<!tpu.dma_semaphore, #tpu.memory_space<semaphore_mem>>, %arg19: memref<!tpu.dma_semaphore, #tpu.memory_space<semaphore_mem>>, %arg20: memref<!tpu.dma_semaphore, #tpu.memory_space<semaphore_mem>>, %arg21: memref<!tpu.dma_semaphore, #tpu.memory_space<semaphore_mem>>) attributes {dimension_semantics = [#tpu.dimension_semantics<core_parallel>, #tpu.dimension_semantics<subcore_parallel>], iteration_bounds = array<i64: 2, 16>, scalar_prefetch = 0 : i64, scratch_operands = 17 : i64, tpu.core_type = #tpu.core_type<sc_vector_subcore>, window_params = [{transform_indices = #map}, {transform_indices = #map1}, {transform_indices = #map}]} {
    %mul3A = arith.constant 2 : i32
    %mul3A_0 = arith.muli %arg1, %mul3A : i32
    %add3A = arith.addi %mul3A_0, %arg0 : i32
    %mul3A_1 = arith.constant 2048 : i32
    %mul3A_2 = arith.muli %add3A, %mul3A_1 : i32
    "tpu.region"() ({
      %run_scoped3A = tpu.sem_alloc : memref<!tpu.dma_semaphore, #tpu.memory_space<semaphore_mem>>
      %dma_start3A = arith.constant 0 : i32
      %dma_start3A_63 = arith.constant 0 : i32
      %dma_start3A_64 = tpu.memref_slice %arg3[%add3A, %dma_start3A, %dma_start3A_63] : memref<32x128x16xi32, #tpu.memory_space<hbm>> -> memref<1x128x16xi32, #tpu.memory_space<hbm>>
      %dma_start3A_65 = tpu.memref_squeeze %dma_start3A_64 : memref<1x128x16xi32, #tpu.memory_space<hbm>> -> memref<128x16xi32, #tpu.memory_space<hbm>>
      %dma_start3A_66 = arith.constant 0 : i32
      %dma_start3A_67 = arith.constant 0 : i32
      %dma_start3A_68 = tpu.memref_slice %arg3[%add3A, %dma_start3A_66, %dma_start3A_67] : memref<32x128x16xi32, #tpu.memory_space<hbm>> -> memref<1x128x16xi32, #tpu.memory_space<hbm>>
      %dma_start3A_69 = tpu.memref_squeeze %dma_start3A_68 : memref<1x128x16xi32, #tpu.memory_space<hbm>> -> memref<128x16xi32, #tpu.memory_space<hbm>>
      tpu.enqueue_dma source(%dma_start3A_69 : memref<128x16xi32, #tpu.memory_space<hbm>>) target(%arg5 : memref<128x16xi32, #tpu.memory_space<vmem>>) target_semaphore(%run_scoped3A : memref<!tpu.dma_semaphore, #tpu.memory_space<semaphore_mem>>)
      %dma_wait3A_70 = arith.constant 0 : i32
      %dma_wait3A_71 = arith.constant 0 : i32
      %dma_wait3A_72 = tpu.memref_slice %arg3[%add3A, %dma_wait3A_70, %dma_wait3A_71] : memref<32x128x16xi32, #tpu.memory_space<hbm>> -> memref<1x128x16xi32, #tpu.memory_space<hbm>>
      %dma_wait3A_73 = tpu.memref_squeeze %dma_wait3A_72 : memref<1x128x16xi32, #tpu.memory_space<hbm>> -> memref<128x16xi32, #tpu.memory_space<hbm>>
      %dma_wait3A_74 = arith.constant 0 : i32
      %dma_wait3A_75 = arith.constant 0 : i32
      %dma_wait3A_76 = tpu.memref_slice %arg3[%add3A, %dma_wait3A_74, %dma_wait3A_75] : memref<32x128x16xi32, #tpu.memory_space<hbm>> -> memref<1x128x16xi32, #tpu.memory_space<hbm>>
      %dma_wait3A_77 = tpu.memref_squeeze %dma_wait3A_76 : memref<1x128x16xi32, #tpu.memory_space<hbm>> -> memref<128x16xi32, #tpu.memory_space<hbm>>
      tpu.wait_dma2 semaphore(%run_scoped3A : memref<!tpu.dma_semaphore, #tpu.memory_space<semaphore_mem>>) src(%dma_wait3A_77 : memref<128x16xi32, #tpu.memory_space<hbm>>) dst(%arg5 : memref<128x16xi32, #tpu.memory_space<vmem>>)
      tpu.yield
    }) : () -> ()
    %scan3A = arith.constant 0 : i32
    %scan3A_3 = arith.constant 0 : i32
    %scan3A_4 = arith.constant 16 : i32
    %scan3A_5 = arith.addi %scan3A_3, %scan3A_4 : i32
    %scan3A_6 = arith.constant 1 : i32
    scf.for %scan3A_63 = %scan3A_3 to %scan3A_5 step %scan3A_6  : i32 {
      %mul3A_64 = arith.constant 8 : i32
      %mul3A_65 = arith.muli %scan3A_63, %mul3A_64 : i32
      %add3A_66 = arith.constant 0 : i32
      %add3A_67 = arith.addi %mul3A_65, %add3A_66 : i32
      %gt3A = arith.constant 0 : i32
      %gt3A_68 = arith.cmpi sgt, %scan3A_63, %gt3A : i32
      %convert_element_type3A = arith.extui %gt3A_68 : i1 to i32
      %cond3A = arith.constant 0 : i32
      %cond3A_69 = arith.cmpi ne, %convert_element_type3A, %cond3A : i32
      scf.if %cond3A_69 {
        %dma_wait3A_204 = arith.constant 0 : i32
        %dma_wait3A_205 = tpu.memref_slice %arg5[%add3A_67, %dma_wait3A_204] : memref<128x16xi32, #tpu.memory_space<vmem>> -> memref<1x16xi32, #tpu.memory_space<vmem>>
        %dma_wait3A_206 = tpu.memref_squeeze %dma_wait3A_205 : memref<1x16xi32, #tpu.memory_space<vmem>> -> memref<16xi32, #tpu.memory_space<vmem>>
        %dma_wait3A_207 = arith.constant 0 : i32
        %dma_wait3A_208 = arith.constant 0 : i32
        %dma_wait3A_209 = tpu.memref_slice %arg4[%dma_wait3A_207, %dma_wait3A_208] : memref<32776x512xf32, #tpu.memory_space<hbm>> -> memref<32776x512xf32, #tpu.memory_space<hbm>>
        tpu.wait_indirect_dma semaphore(%arg14 : memref<!tpu.dma_semaphore, #tpu.memory_space<semaphore_mem>>) src(%arg6 : memref<16x512xf32, #tpu.memory_space<vmem>>) dst(%dma_wait3A_209 : memref<32776x512xf32, #tpu.memory_space<hbm>>)
      } else {
      }
      %mul3A_70 = arith.constant 16 : i32
      %mul3A_71 = arith.muli %add3A_67, %mul3A_70 : i32
      %add3A_72 = arith.addi %mul3A_2, %mul3A_71 : i32
      "tpu.region"() ({
        %run_scoped3A = tpu.sem_alloc : memref<!tpu.dma_semaphore, #tpu.memory_space<semaphore_mem>>
        %dma_start3A_204 = arith.constant 0 : i32
        %dma_start3A_205 = tpu.memref_slice %arg2[%add3A_72, %dma_start3A_204] : memref<65536x512xf32, #tpu.memory_space<hbm>> -> memref<16x512xf32, #tpu.memory_space<hbm>>
        %dma_start3A_206 = arith.constant 0 : i32
        %dma_start3A_207 = tpu.memref_slice %arg2[%add3A_72, %dma_start3A_206] : memref<65536x512xf32, #tpu.memory_space<hbm>> -> memref<16x512xf32, #tpu.memory_space<hbm>>
        tpu.enqueue_dma source(%dma_start3A_207 : memref<16x512xf32, #tpu.memory_space<hbm>>) target(%arg6 : memref<16x512xf32, #tpu.memory_space<vmem>>) target_semaphore(%run_scoped3A : memref<!tpu.dma_semaphore, #tpu.memory_space<semaphore_mem>>)
        %dma_wait3A_208 = arith.constant 0 : i32
        %dma_wait3A_209 = tpu.memref_slice %arg2[%add3A_72, %dma_wait3A_208] : memref<65536x512xf32, #tpu.memory_space<hbm>> -> memref<16x512xf32, #tpu.memory_space<hbm>>
        %dma_wait3A_210 = arith.constant 0 : i32
        %dma_wait3A_211 = tpu.memref_slice %arg2[%add3A_72, %dma_wait3A_210] : memref<65536x512xf32, #tpu.memory_space<hbm>> -> memref<16x512xf32, #tpu.memory_space<hbm>>
        tpu.wait_dma2 semaphore(%run_scoped3A : memref<!tpu.dma_semaphore, #tpu.memory_space<semaphore_mem>>) src(%dma_wait3A_211 : memref<16x512xf32, #tpu.memory_space<hbm>>) dst(%arg6 : memref<16x512xf32, #tpu.memory_space<vmem>>)
        tpu.yield
      }) : () -> ()
      %dma_start3A = arith.constant 0 : i32
      %dma_start3A_73 = tpu.memref_slice %arg5[%add3A_67, %dma_start3A] : memref<128x16xi32, #tpu.memory_space<vmem>> -> memref<1x16xi32, #tpu.memory_space<vmem>>
      %dma_start3A_74 = tpu.memref_squeeze %dma_start3A_73 : memref<1x16xi32, #tpu.memory_space<vmem>> -> memref<16xi32, #tpu.memory_space<vmem>>
      %dma_start3A_75 = arith.constant 0 : i32
      %dma_start3A_76 = arith.constant 0 : i32
      %dma_start3A_77 = tpu.memref_slice %arg4[%dma_start3A_75, %dma_start3A_76] : memref<32776x512xf32, #tpu.memory_space<hbm>> -> memref<32776x512xf32, #tpu.memory_space<hbm>>
      tpu.enqueue_indirect_dma source(%arg6 : memref<16x512xf32, #tpu.memory_space<vmem>>) target(%dma_start3A_77 : memref<32776x512xf32, #tpu.memory_space<hbm>>) offsets(%dma_start3A_74 : memref<16xi32, #tpu.memory_space<vmem>>) semaphore(%arg14 : memref<!tpu.dma_semaphore, #tpu.memory_space<semaphore_mem>>)
      %mul3A_78 = arith.constant 8 : i32
      %mul3A_79 = arith.muli %scan3A_63, %mul3A_78 : i32
      %add3A_80 = arith.constant 1 : i32
      %add3A_81 = arith.addi %mul3A_79, %add3A_80 : i32
      %gt3A_82 = arith.constant 0 : i32
      %gt3A_83 = arith.cmpi sgt, %scan3A_63, %gt3A_82 : i32
      %convert_element_type3A_84 = arith.extui %gt3A_83 : i1 to i32
      %cond3A_85 = arith.constant 0 : i32
      %cond3A_86 = arith.cmpi ne, %convert_element_type3A_84, %cond3A_85 : i32
      scf.if %cond3A_86 {
        %dma_wait3A_204 = arith.constant 0 : i32
        %dma_wait3A_205 = tpu.memref_slice %arg5[%add3A_81, %dma_wait3A_204] : memref<128x16xi32, #tpu.memory_space<vmem>> -> memref<1x16xi32, #tpu.memory_space<vmem>>
        %dma_wait3A_206 = tpu.memref_squeeze %dma_wait3A_205 : memref<1x16xi32, #tpu.memory_space<vmem>> -> memref<16xi32, #tpu.memory_space<vmem>>
        %dma_wait3A_207 = arith.constant 0 : i32
        %dma_wait3A_208 = arith.constant 0 : i32
        %dma_wait3A_209 = tpu.memref_slice %arg4[%dma_wait3A_207, %dma_wait3A_208] : memref<32776x512xf32, #tpu.memory_space<hbm>> -> memref<32776x512xf32, #tpu.memory_space<hbm>>
        tpu.wait_indirect_dma semaphore(%arg15 : memref<!tpu.dma_semaphore, #tpu.memory_space<semaphore_mem>>) src(%arg7 : memref<16x512xf32, #tpu.memory_space<vmem>>) dst(%dma_wait3A_209 : memref<32776x512xf32, #tpu.memory_space<hbm>>)
      } else {
      }
      %mul3A_87 = arith.constant 16 : i32
      %mul3A_88 = arith.muli %add3A_81, %mul3A_87 : i32
      %add3A_89 = arith.addi %mul3A_2, %mul3A_88 : i32
      "tpu.region"() ({
        %run_scoped3A = tpu.sem_alloc : memref<!tpu.dma_semaphore, #tpu.memory_space<semaphore_mem>>
        %dma_start3A_204 = arith.constant 0 : i32
        %dma_start3A_205 = tpu.memref_slice %arg2[%add3A_89, %dma_start3A_204] : memref<65536x512xf32, #tpu.memory_space<hbm>> -> memref<16x512xf32, #tpu.memory_space<hbm>>
        %dma_start3A_206 = arith.constant 0 : i32
        %dma_start3A_207 = tpu.memref_slice %arg2[%add3A_89, %dma_start3A_206] : memref<65536x512xf32, #tpu.memory_space<hbm>> -> memref<16x512xf32, #tpu.memory_space<hbm>>
        tpu.enqueue_dma source(%dma_start3A_207 : memref<16x512xf32, #tpu.memory_space<hbm>>) target(%arg7 : memref<16x512xf32, #tpu.memory_space<vmem>>) target_semaphore(%run_scoped3A : memref<!tpu.dma_semaphore, #tpu.memory_space<semaphore_mem>>)
        %dma_wait3A_208 = arith.constant 0 : i32
        %dma_wait3A_209 = tpu.memref_slice %arg2[%add3A_89, %dma_wait3A_208] : memref<65536x512xf32, #tpu.memory_space<hbm>> -> memref<16x512xf32, #tpu.memory_space<hbm>>
        %dma_wait3A_210 = arith.constant 0 : i32
        %dma_wait3A_211 = tpu.memref_slice %arg2[%add3A_89, %dma_wait3A_210] : memref<65536x512xf32, #tpu.memory_space<hbm>> -> memref<16x512xf32, #tpu.memory_space<hbm>>
        tpu.wait_dma2 semaphore(%run_scoped3A : memref<!tpu.dma_semaphore, #tpu.memory_space<semaphore_mem>>) src(%dma_wait3A_211 : memref<16x512xf32, #tpu.memory_space<hbm>>) dst(%arg7 : memref<16x512xf32, #tpu.memory_space<vmem>>)
        tpu.yield
      }) : () -> ()
      %dma_start3A_90 = arith.constant 0 : i32
      %dma_start3A_91 = tpu.memref_slice %arg5[%add3A_81, %dma_start3A_90] : memref<128x16xi32, #tpu.memory_space<vmem>> -> memref<1x16xi32, #tpu.memory_space<vmem>>
      %dma_start3A_92 = tpu.memref_squeeze %dma_start3A_91 : memref<1x16xi32, #tpu.memory_space<vmem>> -> memref<16xi32, #tpu.memory_space<vmem>>
      %dma_start3A_93 = arith.constant 0 : i32
      %dma_start3A_94 = arith.constant 0 : i32
      %dma_start3A_95 = tpu.memref_slice %arg4[%dma_start3A_93, %dma_start3A_94] : memref<32776x512xf32, #tpu.memory_space<hbm>> -> memref<32776x512xf32, #tpu.memory_space<hbm>>
      tpu.enqueue_indirect_dma source(%arg7 : memref<16x512xf32, #tpu.memory_space<vmem>>) target(%dma_start3A_95 : memref<32776x512xf32, #tpu.memory_space<hbm>>) offsets(%dma_start3A_92 : memref<16xi32, #tpu.memory_space<vmem>>) semaphore(%arg15 : memref<!tpu.dma_semaphore, #tpu.memory_space<semaphore_mem>>)
      %mul3A_96 = arith.constant 8 : i32
      %mul3A_97 = arith.muli %scan3A_63, %mul3A_96 : i32
      %add3A_98 = arith.constant 2 : i32
      %add3A_99 = arith.addi %mul3A_97, %add3A_98 : i32
      %gt3A_100 = arith.constant 0 : i32
      %gt3A_101 = arith.cmpi sgt, %scan3A_63, %gt3A_100 : i32
      %convert_element_type3A_102 = arith.extui %gt3A_101 : i1 to i32
      %cond3A_103 = arith.constant 0 : i32
      %cond3A_104 = arith.cmpi ne, %convert_element_type3A_102, %cond3A_103 : i32
      scf.if %cond3A_104 {
        %dma_wait3A_204 = arith.constant 0 : i32
        %dma_wait3A_205 = tpu.memref_slice %arg5[%add3A_99, %dma_wait3A_204] : memref<128x16xi32, #tpu.memory_space<vmem>> -> memref<1x16xi32, #tpu.memory_space<vmem>>
        %dma_wait3A_206 = tpu.memref_squeeze %dma_wait3A_205 : memref<1x16xi32, #tpu.memory_space<vmem>> -> memref<16xi32, #tpu.memory_space<vmem>>
        %dma_wait3A_207 = arith.constant 0 : i32
        %dma_wait3A_208 = arith.constant 0 : i32
        %dma_wait3A_209 = tpu.memref_slice %arg4[%dma_wait3A_207, %dma_wait3A_208] : memref<32776x512xf32, #tpu.memory_space<hbm>> -> memref<32776x512xf32, #tpu.memory_space<hbm>>
        tpu.wait_indirect_dma semaphore(%arg16 : memref<!tpu.dma_semaphore, #tpu.memory_space<semaphore_mem>>) src(%arg8 : memref<16x512xf32, #tpu.memory_space<vmem>>) dst(%dma_wait3A_209 : memref<32776x512xf32, #tpu.memory_space<hbm>>)
      } else {
      }
      %mul3A_105 = arith.constant 16 : i32
      %mul3A_106 = arith.muli %add3A_99, %mul3A_105 : i32
      %add3A_107 = arith.addi %mul3A_2, %mul3A_106 : i32
      "tpu.region"() ({
        %run_scoped3A = tpu.sem_alloc : memref<!tpu.dma_semaphore, #tpu.memory_space<semaphore_mem>>
        %dma_start3A_204 = arith.constant 0 : i32
        %dma_start3A_205 = tpu.memref_slice %arg2[%add3A_107, %dma_start3A_204] : memref<65536x512xf32, #tpu.memory_space<hbm>> -> memref<16x512xf32, #tpu.memory_space<hbm>>
        %dma_start3A_206 = arith.constant 0 : i32
        %dma_start3A_207 = tpu.memref_slice %arg2[%add3A_107, %dma_start3A_206] : memref<65536x512xf32, #tpu.memory_space<hbm>> -> memref<16x512xf32, #tpu.memory_space<hbm>>
        tpu.enqueue_dma source(%dma_start3A_207 : memref<16x512xf32, #tpu.memory_space<hbm>>) target(%arg8 : memref<16x512xf32, #tpu.memory_space<vmem>>) target_semaphore(%run_scoped3A : memref<!tpu.dma_semaphore, #tpu.memory_space<semaphore_mem>>)
        %dma_wait3A_208 = arith.constant 0 : i32
        %dma_wait3A_209 = tpu.memref_slice %arg2[%add3A_107, %dma_wait3A_208] : memref<65536x512xf32, #tpu.memory_space<hbm>> -> memref<16x512xf32, #tpu.memory_space<hbm>>
        %dma_wait3A_210 = arith.constant 0 : i32
        %dma_wait3A_211 = tpu.memref_slice %arg2[%add3A_107, %dma_wait3A_210] : memref<65536x512xf32, #tpu.memory_space<hbm>> -> memref<16x512xf32, #tpu.memory_space<hbm>>
        tpu.wait_dma2 semaphore(%run_scoped3A : memref<!tpu.dma_semaphore, #tpu.memory_space<semaphore_mem>>) src(%dma_wait3A_211 : memref<16x512xf32, #tpu.memory_space<hbm>>) dst(%arg8 : memref<16x512xf32, #tpu.memory_space<vmem>>)
        tpu.yield
      }) : () -> ()
      %dma_start3A_108 = arith.constant 0 : i32
      %dma_start3A_109 = tpu.memref_slice %arg5[%add3A_99, %dma_start3A_108] : memref<128x16xi32, #tpu.memory_space<vmem>> -> memref<1x16xi32, #tpu.memory_space<vmem>>
      %dma_start3A_110 = tpu.memref_squeeze %dma_start3A_109 : memref<1x16xi32, #tpu.memory_space<vmem>> -> memref<16xi32, #tpu.memory_space<vmem>>
      %dma_start3A_111 = arith.constant 0 : i32
      %dma_start3A_112 = arith.constant 0 : i32
      %dma_start3A_113 = tpu.memref_slice %arg4[%dma_start3A_111, %dma_start3A_112] : memref<32776x512xf32, #tpu.memory_space<hbm>> -> memref<32776x512xf32, #tpu.memory_space<hbm>>
      tpu.enqueue_indirect_dma source(%arg8 : memref<16x512xf32, #tpu.memory_space<vmem>>) target(%dma_start3A_113 : memref<32776x512xf32, #tpu.memory_space<hbm>>) offsets(%dma_start3A_110 : memref<16xi32, #tpu.memory_space<vmem>>) semaphore(%arg16 : memref<!tpu.dma_semaphore, #tpu.memory_space<semaphore_mem>>)
      %mul3A_114 = arith.constant 8 : i32
      %mul3A_115 = arith.muli %scan3A_63, %mul3A_114 : i32
      %add3A_116 = arith.constant 3 : i32
      %add3A_117 = arith.addi %mul3A_115, %add3A_116 : i32
      %gt3A_118 = arith.constant 0 : i32
      %gt3A_119 = arith.cmpi sgt, %scan3A_63, %gt3A_118 : i32
      %convert_element_type3A_120 = arith.extui %gt3A_119 : i1 to i32
      %cond3A_121 = arith.constant 0 : i32
      %cond3A_122 = arith.cmpi ne, %convert_element_type3A_120, %cond3A_121 : i32
      scf.if %cond3A_122 {
        %dma_wait3A_204 = arith.constant 0 : i32
        %dma_wait3A_205 = tpu.memref_slice %arg5[%add3A_117, %dma_wait3A_204] : memref<128x16xi32, #tpu.memory_space<vmem>> -> memref<1x16xi32, #tpu.memory_space<vmem>>
        %dma_wait3A_206 = tpu.memref_squeeze %dma_wait3A_205 : memref<1x16xi32, #tpu.memory_space<vmem>> -> memref<16xi32, #tpu.memory_space<vmem>>
        %dma_wait3A_207 = arith.constant 0 : i32
        %dma_wait3A_208 = arith.constant 0 : i32
        %dma_wait3A_209 = tpu.memref_slice %arg4[%dma_wait3A_207, %dma_wait3A_208] : memref<32776x512xf32, #tpu.memory_space<hbm>> -> memref<32776x512xf32, #tpu.memory_space<hbm>>
        tpu.wait_indirect_dma semaphore(%arg17 : memref<!tpu.dma_semaphore, #tpu.memory_space<semaphore_mem>>) src(%arg9 : memref<16x512xf32, #tpu.memory_space<vmem>>) dst(%dma_wait3A_209 : memref<32776x512xf32, #tpu.memory_space<hbm>>)
      } else {
      }
      %mul3A_123 = arith.constant 16 : i32
      %mul3A_124 = arith.muli %add3A_117, %mul3A_123 : i32
      %add3A_125 = arith.addi %mul3A_2, %mul3A_124 : i32
      "tpu.region"() ({
        %run_scoped3A = tpu.sem_alloc : memref<!tpu.dma_semaphore, #tpu.memory_space<semaphore_mem>>
        %dma_start3A_204 = arith.constant 0 : i32
        %dma_start3A_205 = tpu.memref_slice %arg2[%add3A_125, %dma_start3A_204] : memref<65536x512xf32, #tpu.memory_space<hbm>> -> memref<16x512xf32, #tpu.memory_space<hbm>>
        %dma_start3A_206 = arith.constant 0 : i32
        %dma_start3A_207 = tpu.memref_slice %arg2[%add3A_125, %dma_start3A_206] : memref<65536x512xf32, #tpu.memory_space<hbm>> -> memref<16x512xf32, #tpu.memory_space<hbm>>
        tpu.enqueue_dma source(%dma_start3A_207 : memref<16x512xf32, #tpu.memory_space<hbm>>) target(%arg9 : memref<16x512xf32, #tpu.memory_space<vmem>>) target_semaphore(%run_scoped3A : memref<!tpu.dma_semaphore, #tpu.memory_space<semaphore_mem>>)
        %dma_wait3A_208 = arith.constant 0 : i32
        %dma_wait3A_209 = tpu.memref_slice %arg2[%add3A_125, %dma_wait3A_208] : memref<65536x512xf32, #tpu.memory_space<hbm>> -> memref<16x512xf32, #tpu.memory_space<hbm>>
        %dma_wait3A_210 = arith.constant 0 : i32
        %dma_wait3A_211 = tpu.memref_slice %arg2[%add3A_125, %dma_wait3A_210] : memref<65536x512xf32, #tpu.memory_space<hbm>> -> memref<16x512xf32, #tpu.memory_space<hbm>>
        tpu.wait_dma2 semaphore(%run_scoped3A : memref<!tpu.dma_semaphore, #tpu.memory_space<semaphore_mem>>) src(%dma_wait3A_211 : memref<16x512xf32, #tpu.memory_space<hbm>>) dst(%arg9 : memref<16x512xf32, #tpu.memory_space<vmem>>)
        tpu.yield
      }) : () -> ()
      %dma_start3A_126 = arith.constant 0 : i32
      %dma_start3A_127 = tpu.memref_slice %arg5[%add3A_117, %dma_start3A_126] : memref<128x16xi32, #tpu.memory_space<vmem>> -> memref<1x16xi32, #tpu.memory_space<vmem>>
      %dma_start3A_128 = tpu.memref_squeeze %dma_start3A_127 : memref<1x16xi32, #tpu.memory_space<vmem>> -> memref<16xi32, #tpu.memory_space<vmem>>
      %dma_start3A_129 = arith.constant 0 : i32
      %dma_start3A_130 = arith.constant 0 : i32
      %dma_start3A_131 = tpu.memref_slice %arg4[%dma_start3A_129, %dma_start3A_130] : memref<32776x512xf32, #tpu.memory_space<hbm>> -> memref<32776x512xf32, #tpu.memory_space<hbm>>
      tpu.enqueue_indirect_dma source(%arg9 : memref<16x512xf32, #tpu.memory_space<vmem>>) target(%dma_start3A_131 : memref<32776x512xf32, #tpu.memory_space<hbm>>) offsets(%dma_start3A_128 : memref<16xi32, #tpu.memory_space<vmem>>) semaphore(%arg17 : memref<!tpu.dma_semaphore, #tpu.memory_space<semaphore_mem>>)
      %mul3A_132 = arith.constant 8 : i32
      %mul3A_133 = arith.muli %scan3A_63, %mul3A_132 : i32
      %add3A_134 = arith.constant 4 : i32
      %add3A_135 = arith.addi %mul3A_133, %add3A_134 : i32
      %gt3A_136 = arith.constant 0 : i32
      %gt3A_137 = arith.cmpi sgt, %scan3A_63, %gt3A_136 : i32
      %convert_element_type3A_138 = arith.extui %gt3A_137 : i1 to i32
      %cond3A_139 = arith.constant 0 : i32
      %cond3A_140 = arith.cmpi ne, %convert_element_type3A_138, %cond3A_139 : i32
      scf.if %cond3A_140 {
        %dma_wait3A_204 = arith.constant 0 : i32
        %dma_wait3A_205 = tpu.memref_slice %arg5[%add3A_135, %dma_wait3A_204] : memref<128x16xi32, #tpu.memory_space<vmem>> -> memref<1x16xi32, #tpu.memory_space<vmem>>
        %dma_wait3A_206 = tpu.memref_squeeze %dma_wait3A_205 : memref<1x16xi32, #tpu.memory_space<vmem>> -> memref<16xi32, #tpu.memory_space<vmem>>
        %dma_wait3A_207 = arith.constant 0 : i32
        %dma_wait3A_208 = arith.constant 0 : i32
        %dma_wait3A_209 = tpu.memref_slice %arg4[%dma_wait3A_207, %dma_wait3A_208] : memref<32776x512xf32, #tpu.memory_space<hbm>> -> memref<32776x512xf32, #tpu.memory_space<hbm>>
        tpu.wait_indirect_dma semaphore(%arg18 : memref<!tpu.dma_semaphore, #tpu.memory_space<semaphore_mem>>) src(%arg10 : memref<16x512xf32, #tpu.memory_space<vmem>>) dst(%dma_wait3A_209 : memref<32776x512xf32, #tpu.memory_space<hbm>>)
      } else {
      }
      %mul3A_141 = arith.constant 16 : i32
      %mul3A_142 = arith.muli %add3A_135, %mul3A_141 : i32
      %add3A_143 = arith.addi %mul3A_2, %mul3A_142 : i32
      "tpu.region"() ({
        %run_scoped3A = tpu.sem_alloc : memref<!tpu.dma_semaphore, #tpu.memory_space<semaphore_mem>>
        %dma_start3A_204 = arith.constant 0 : i32
        %dma_start3A_205 = tpu.memref_slice %arg2[%add3A_143, %dma_start3A_204] : memref<65536x512xf32, #tpu.memory_space<hbm>> -> memref<16x512xf32, #tpu.memory_space<hbm>>
        %dma_start3A_206 = arith.constant 0 : i32
        %dma_start3A_207 = tpu.memref_slice %arg2[%add3A_143, %dma_start3A_206] : memref<65536x512xf32, #tpu.memory_space<hbm>> -> memref<16x512xf32, #tpu.memory_space<hbm>>
        tpu.enqueue_dma source(%dma_start3A_207 : memref<16x512xf32, #tpu.memory_space<hbm>>) target(%arg10 : memref<16x512xf32, #tpu.memory_space<vmem>>) target_semaphore(%run_scoped3A : memref<!tpu.dma_semaphore, #tpu.memory_space<semaphore_mem>>)
        %dma_wait3A_208 = arith.constant 0 : i32
        %dma_wait3A_209 = tpu.memref_slice %arg2[%add3A_143, %dma_wait3A_208] : memref<65536x512xf32, #tpu.memory_space<hbm>> -> memref<16x512xf32, #tpu.memory_space<hbm>>
        %dma_wait3A_210 = arith.constant 0 : i32
        %dma_wait3A_211 = tpu.memref_slice %arg2[%add3A_143, %dma_wait3A_210] : memref<65536x512xf32, #tpu.memory_space<hbm>> -> memref<16x512xf32, #tpu.memory_space<hbm>>
        tpu.wait_dma2 semaphore(%run_scoped3A : memref<!tpu.dma_semaphore, #tpu.memory_space<semaphore_mem>>) src(%dma_wait3A_211 : memref<16x512xf32, #tpu.memory_space<hbm>>) dst(%arg10 : memref<16x512xf32, #tpu.memory_space<vmem>>)
        tpu.yield
      }) : () -> ()
      %dma_start3A_144 = arith.constant 0 : i32
      %dma_start3A_145 = tpu.memref_slice %arg5[%add3A_135, %dma_start3A_144] : memref<128x16xi32, #tpu.memory_space<vmem>> -> memref<1x16xi32, #tpu.memory_space<vmem>>
      %dma_start3A_146 = tpu.memref_squeeze %dma_start3A_145 : memref<1x16xi32, #tpu.memory_space<vmem>> -> memref<16xi32, #tpu.memory_space<vmem>>
      %dma_start3A_147 = arith.constant 0 : i32
      %dma_start3A_148 = arith.constant 0 : i32
      %dma_start3A_149 = tpu.memref_slice %arg4[%dma_start3A_147, %dma_start3A_148] : memref<32776x512xf32, #tpu.memory_space<hbm>> -> memref<32776x512xf32, #tpu.memory_space<hbm>>
      tpu.enqueue_indirect_dma source(%arg10 : memref<16x512xf32, #tpu.memory_space<vmem>>) target(%dma_start3A_149 : memref<32776x512xf32, #tpu.memory_space<hbm>>) offsets(%dma_start3A_146 : memref<16xi32, #tpu.memory_space<vmem>>) semaphore(%arg18 : memref<!tpu.dma_semaphore, #tpu.memory_space<semaphore_mem>>)
      %mul3A_150 = arith.constant 8 : i32
      %mul3A_151 = arith.muli %scan3A_63, %mul3A_150 : i32
      %add3A_152 = arith.constant 5 : i32
      %add3A_153 = arith.addi %mul3A_151, %add3A_152 : i32
      %gt3A_154 = arith.constant 0 : i32
      %gt3A_155 = arith.cmpi sgt, %scan3A_63, %gt3A_154 : i32
      %convert_element_type3A_156 = arith.extui %gt3A_155 : i1 to i32
      %cond3A_157 = arith.constant 0 : i32
      %cond3A_158 = arith.cmpi ne, %convert_element_type3A_156, %cond3A_157 : i32
      scf.if %cond3A_158 {
        %dma_wait3A_204 = arith.constant 0 : i32
        %dma_wait3A_205 = tpu.memref_slice %arg5[%add3A_153, %dma_wait3A_204] : memref<128x16xi32, #tpu.memory_space<vmem>> -> memref<1x16xi32, #tpu.memory_space<vmem>>
        %dma_wait3A_206 = tpu.memref_squeeze %dma_wait3A_205 : memref<1x16xi32, #tpu.memory_space<vmem>> -> memref<16xi32, #tpu.memory_space<vmem>>
        %dma_wait3A_207 = arith.constant 0 : i32
        %dma_wait3A_208 = arith.constant 0 : i32
        %dma_wait3A_209 = tpu.memref_slice %arg4[%dma_wait3A_207, %dma_wait3A_208] : memref<32776x512xf32, #tpu.memory_space<hbm>> -> memref<32776x512xf32, #tpu.memory_space<hbm>>
        tpu.wait_indirect_dma semaphore(%arg19 : memref<!tpu.dma_semaphore, #tpu.memory_space<semaphore_mem>>) src(%arg11 : memref<16x512xf32, #tpu.memory_space<vmem>>) dst(%dma_wait3A_209 : memref<32776x512xf32, #tpu.memory_space<hbm>>)
      } else {
      }
      %mul3A_159 = arith.constant 16 : i32
      %mul3A_160 = arith.muli %add3A_153, %mul3A_159 : i32
      %add3A_161 = arith.addi %mul3A_2, %mul3A_160 : i32
      "tpu.region"() ({
        %run_scoped3A = tpu.sem_alloc : memref<!tpu.dma_semaphore, #tpu.memory_space<semaphore_mem>>
        %dma_start3A_204 = arith.constant 0 : i32
        %dma_start3A_205 = tpu.memref_slice %arg2[%add3A_161, %dma_start3A_204] : memref<65536x512xf32, #tpu.memory_space<hbm>> -> memref<16x512xf32, #tpu.memory_space<hbm>>
        %dma_start3A_206 = arith.constant 0 : i32
        %dma_start3A_207 = tpu.memref_slice %arg2[%add3A_161, %dma_start3A_206] : memref<65536x512xf32, #tpu.memory_space<hbm>> -> memref<16x512xf32, #tpu.memory_space<hbm>>
        tpu.enqueue_dma source(%dma_start3A_207 : memref<16x512xf32, #tpu.memory_space<hbm>>) target(%arg11 : memref<16x512xf32, #tpu.memory_space<vmem>>) target_semaphore(%run_scoped3A : memref<!tpu.dma_semaphore, #tpu.memory_space<semaphore_mem>>)
        %dma_wait3A_208 = arith.constant 0 : i32
        %dma_wait3A_209 = tpu.memref_slice %arg2[%add3A_161, %dma_wait3A_208] : memref<65536x512xf32, #tpu.memory_space<hbm>> -> memref<16x512xf32, #tpu.memory_space<hbm>>
        %dma_wait3A_210 = arith.constant 0 : i32
        %dma_wait3A_211 = tpu.memref_slice %arg2[%add3A_161, %dma_wait3A_210] : memref<65536x512xf32, #tpu.memory_space<hbm>> -> memref<16x512xf32, #tpu.memory_space<hbm>>
        tpu.wait_dma2 semaphore(%run_scoped3A : memref<!tpu.dma_semaphore, #tpu.memory_space<semaphore_mem>>) src(%dma_wait3A_211 : memref<16x512xf32, #tpu.memory_space<hbm>>) dst(%arg11 : memref<16x512xf32, #tpu.memory_space<vmem>>)
        tpu.yield
      }) : () -> ()
      %dma_start3A_162 = arith.constant 0 : i32
      %dma_start3A_163 = tpu.memref_slice %arg5[%add3A_153, %dma_start3A_162] : memref<128x16xi32, #tpu.memory_space<vmem>> -> memref<1x16xi32, #tpu.memory_space<vmem>>
      %dma_start3A_164 = tpu.memref_squeeze %dma_start3A_163 : memref<1x16xi32, #tpu.memory_space<vmem>> -> memref<16xi32, #tpu.memory_space<vmem>>
      %dma_start3A_165 = arith.constant 0 : i32
      %dma_start3A_166 = arith.constant 0 : i32
      %dma_start3A_167 = tpu.memref_slice %arg4[%dma_start3A_165, %dma_start3A_166] : memref<32776x512xf32, #tpu.memory_space<hbm>> -> memref<32776x512xf32, #tpu.memory_space<hbm>>
      tpu.enqueue_indirect_dma source(%arg11 : memref<16x512xf32, #tpu.memory_space<vmem>>) target(%dma_start3A_167 : memref<32776x512xf32, #tpu.memory_space<hbm>>) offsets(%dma_start3A_164 : memref<16xi32, #tpu.memory_space<vmem>>) semaphore(%arg19 : memref<!tpu.dma_semaphore, #tpu.memory_space<semaphore_mem>>)
      %mul3A_168 = arith.constant 8 : i32
      %mul3A_169 = arith.muli %scan3A_63, %mul3A_168 : i32
      %add3A_170 = arith.constant 6 : i32
      %add3A_171 = arith.addi %mul3A_169, %add3A_170 : i32
      %gt3A_172 = arith.constant 0 : i32
      %gt3A_173 = arith.cmpi sgt, %scan3A_63, %gt3A_172 : i32
      %convert_element_type3A_174 = arith.extui %gt3A_173 : i1 to i32
      %cond3A_175 = arith.constant 0 : i32
      %cond3A_176 = arith.cmpi ne, %convert_element_type3A_174, %cond3A_175 : i32
      scf.if %cond3A_176 {
        %dma_wait3A_204 = arith.constant 0 : i32
        %dma_wait3A_205 = tpu.memref_slice %arg5[%add3A_171, %dma_wait3A_204] : memref<128x16xi32, #tpu.memory_space<vmem>> -> memref<1x16xi32, #tpu.memory_space<vmem>>
        %dma_wait3A_206 = tpu.memref_squeeze %dma_wait3A_205 : memref<1x16xi32, #tpu.memory_space<vmem>> -> memref<16xi32, #tpu.memory_space<vmem>>
        %dma_wait3A_207 = arith.constant 0 : i32
        %dma_wait3A_208 = arith.constant 0 : i32
        %dma_wait3A_209 = tpu.memref_slice %arg4[%dma_wait3A_207, %dma_wait3A_208] : memref<32776x512xf32, #tpu.memory_space<hbm>> -> memref<32776x512xf32, #tpu.memory_space<hbm>>
        tpu.wait_indirect_dma semaphore(%arg20 : memref<!tpu.dma_semaphore, #tpu.memory_space<semaphore_mem>>) src(%arg12 : memref<16x512xf32, #tpu.memory_space<vmem>>) dst(%dma_wait3A_209 : memref<32776x512xf32, #tpu.memory_space<hbm>>)
      } else {
      }
      %mul3A_177 = arith.constant 16 : i32
      %mul3A_178 = arith.muli %add3A_171, %mul3A_177 : i32
      %add3A_179 = arith.addi %mul3A_2, %mul3A_178 : i32
      "tpu.region"() ({
        %run_scoped3A = tpu.sem_alloc : memref<!tpu.dma_semaphore, #tpu.memory_space<semaphore_mem>>
        %dma_start3A_204 = arith.constant 0 : i32
        %dma_start3A_205 = tpu.memref_slice %arg2[%add3A_179, %dma_start3A_204] : memref<65536x512xf32, #tpu.memory_space<hbm>> -> memref<16x512xf32, #tpu.memory_space<hbm>>
        %dma_start3A_206 = arith.constant 0 : i32
        %dma_start3A_207 = tpu.memref_slice %arg2[%add3A_179, %dma_start3A_206] : memref<65536x512xf32, #tpu.memory_space<hbm>> -> memref<16x512xf32, #tpu.memory_space<hbm>>
        tpu.enqueue_dma source(%dma_start3A_207 : memref<16x512xf32, #tpu.memory_space<hbm>>) target(%arg12 : memref<16x512xf32, #tpu.memory_space<vmem>>) target_semaphore(%run_scoped3A : memref<!tpu.dma_semaphore, #tpu.memory_space<semaphore_mem>>)
        %dma_wait3A_208 = arith.constant 0 : i32
        %dma_wait3A_209 = tpu.memref_slice %arg2[%add3A_179, %dma_wait3A_208] : memref<65536x512xf32, #tpu.memory_space<hbm>> -> memref<16x512xf32, #tpu.memory_space<hbm>>
        %dma_wait3A_210 = arith.constant 0 : i32
        %dma_wait3A_211 = tpu.memref_slice %arg2[%add3A_179, %dma_wait3A_210] : memref<65536x512xf32, #tpu.memory_space<hbm>> -> memref<16x512xf32, #tpu.memory_space<hbm>>
        tpu.wait_dma2 semaphore(%run_scoped3A : memref<!tpu.dma_semaphore, #tpu.memory_space<semaphore_mem>>) src(%dma_wait3A_211 : memref<16x512xf32, #tpu.memory_space<hbm>>) dst(%arg12 : memref<16x512xf32, #tpu.memory_space<vmem>>)
        tpu.yield
      }) : () -> ()
      %dma_start3A_180 = arith.constant 0 : i32
      %dma_start3A_181 = tpu.memref_slice %arg5[%add3A_171, %dma_start3A_180] : memref<128x16xi32, #tpu.memory_space<vmem>> -> memref<1x16xi32, #tpu.memory_space<vmem>>
      %dma_start3A_182 = tpu.memref_squeeze %dma_start3A_181 : memref<1x16xi32, #tpu.memory_space<vmem>> -> memref<16xi32, #tpu.memory_space<vmem>>
      %dma_start3A_183 = arith.constant 0 : i32
      %dma_start3A_184 = arith.constant 0 : i32
      %dma_start3A_185 = tpu.memref_slice %arg4[%dma_start3A_183, %dma_start3A_184] : memref<32776x512xf32, #tpu.memory_space<hbm>> -> memref<32776x512xf32, #tpu.memory_space<hbm>>
      tpu.enqueue_indirect_dma source(%arg12 : memref<16x512xf32, #tpu.memory_space<vmem>>) target(%dma_start3A_185 : memref<32776x512xf32, #tpu.memory_space<hbm>>) offsets(%dma_start3A_182 : memref<16xi32, #tpu.memory_space<vmem>>) semaphore(%arg20 : memref<!tpu.dma_semaphore, #tpu.memory_space<semaphore_mem>>)
      %mul3A_186 = arith.constant 8 : i32
      %mul3A_187 = arith.muli %scan3A_63, %mul3A_186 : i32
      %add3A_188 = arith.constant 7 : i32
      %add3A_189 = arith.addi %mul3A_187, %add3A_188 : i32
      %gt3A_190 = arith.constant 0 : i32
      %gt3A_191 = arith.cmpi sgt, %scan3A_63, %gt3A_190 : i32
      %convert_element_type3A_192 = arith.extui %gt3A_191 : i1 to i32
      %cond3A_193 = arith.constant 0 : i32
      %cond3A_194 = arith.cmpi ne, %convert_element_type3A_192, %cond3A_193 : i32
      scf.if %cond3A_194 {
        %dma_wait3A_204 = arith.constant 0 : i32
        %dma_wait3A_205 = tpu.memref_slice %arg5[%add3A_189, %dma_wait3A_204] : memref<128x16xi32, #tpu.memory_space<vmem>> -> memref<1x16xi32, #tpu.memory_space<vmem>>
        %dma_wait3A_206 = tpu.memref_squeeze %dma_wait3A_205 : memref<1x16xi32, #tpu.memory_space<vmem>> -> memref<16xi32, #tpu.memory_space<vmem>>
        %dma_wait3A_207 = arith.constant 0 : i32
        %dma_wait3A_208 = arith.constant 0 : i32
        %dma_wait3A_209 = tpu.memref_slice %arg4[%dma_wait3A_207, %dma_wait3A_208] : memref<32776x512xf32, #tpu.memory_space<hbm>> -> memref<32776x512xf32, #tpu.memory_space<hbm>>
        tpu.wait_indirect_dma semaphore(%arg21 : memref<!tpu.dma_semaphore, #tpu.memory_space<semaphore_mem>>) src(%arg13 : memref<16x512xf32, #tpu.memory_space<vmem>>) dst(%dma_wait3A_209 : memref<32776x512xf32, #tpu.memory_space<hbm>>)
      } else {
      }
      %mul3A_195 = arith.constant 16 : i32
      %mul3A_196 = arith.muli %add3A_189, %mul3A_195 : i32
      %add3A_197 = arith.addi %mul3A_2, %mul3A_196 : i32
      "tpu.region"() ({
        %run_scoped3A = tpu.sem_alloc : memref<!tpu.dma_semaphore, #tpu.memory_space<semaphore_mem>>
        %dma_start3A_204 = arith.constant 0 : i32
        %dma_start3A_205 = tpu.memref_slice %arg2[%add3A_197, %dma_start3A_204] : memref<65536x512xf32, #tpu.memory_space<hbm>> -> memref<16x512xf32, #tpu.memory_space<hbm>>
        %dma_start3A_206 = arith.constant 0 : i32
        %dma_start3A_207 = tpu.memref_slice %arg2[%add3A_197, %dma_start3A_206] : memref<65536x512xf32, #tpu.memory_space<hbm>> -> memref<16x512xf32, #tpu.memory_space<hbm>>
        tpu.enqueue_dma source(%dma_start3A_207 : memref<16x512xf32, #tpu.memory_space<hbm>>) target(%arg13 : memref<16x512xf32, #tpu.memory_space<vmem>>) target_semaphore(%run_scoped3A : memref<!tpu.dma_semaphore, #tpu.memory_space<semaphore_mem>>)
        %dma_wait3A_208 = arith.constant 0 : i32
        %dma_wait3A_209 = tpu.memref_slice %arg2[%add3A_197, %dma_wait3A_208] : memref<65536x512xf32, #tpu.memory_space<hbm>> -> memref<16x512xf32, #tpu.memory_space<hbm>>
        %dma_wait3A_210 = arith.constant 0 : i32
        %dma_wait3A_211 = tpu.memref_slice %arg2[%add3A_197, %dma_wait3A_210] : memref<65536x512xf32, #tpu.memory_space<hbm>> -> memref<16x512xf32, #tpu.memory_space<hbm>>
        tpu.wait_dma2 semaphore(%run_scoped3A : memref<!tpu.dma_semaphore, #tpu.memory_space<semaphore_mem>>) src(%dma_wait3A_211 : memref<16x512xf32, #tpu.memory_space<hbm>>) dst(%arg13 : memref<16x512xf32, #tpu.memory_space<vmem>>)
        tpu.yield
      }) : () -> ()
      %dma_start3A_198 = arith.constant 0 : i32
      %dma_start3A_199 = tpu.memref_slice %arg5[%add3A_189, %dma_start3A_198] : memref<128x16xi32, #tpu.memory_space<vmem>> -> memref<1x16xi32, #tpu.memory_space<vmem>>
      %dma_start3A_200 = tpu.memref_squeeze %dma_start3A_199 : memref<1x16xi32, #tpu.memory_space<vmem>> -> memref<16xi32, #tpu.memory_space<vmem>>
      %dma_start3A_201 = arith.constant 0 : i32
      %dma_start3A_202 = arith.constant 0 : i32
      %dma_start3A_203 = tpu.memref_slice %arg4[%dma_start3A_201, %dma_start3A_202] : memref<32776x512xf32, #tpu.memory_space<hbm>> -> memref<32776x512xf32, #tpu.memory_space<hbm>>
      tpu.enqueue_indirect_dma source(%arg13 : memref<16x512xf32, #tpu.memory_space<vmem>>) target(%dma_start3A_203 : memref<32776x512xf32, #tpu.memory_space<hbm>>) offsets(%dma_start3A_200 : memref<16xi32, #tpu.memory_space<vmem>>) semaphore(%arg21 : memref<!tpu.dma_semaphore, #tpu.memory_space<semaphore_mem>>)
    }
    %scan3A_7 = arith.constant 16 : i32
    %dma_wait3A = arith.constant 0 : i32
    %dma_wait3A_8 = arith.constant 0 : i32
    %dma_wait3A_9 = tpu.memref_slice %arg5[%dma_wait3A, %dma_wait3A_8] : memref<128x16xi32, #tpu.memory_space<vmem>> -> memref<1x16xi32, #tpu.memory_space<vmem>>
    %dma_wait3A_10 = tpu.memref_squeeze %dma_wait3A_9 : memref<1x16xi32, #tpu.memory_space<vmem>> -> memref<16xi32, #tpu.memory_space<vmem>>
    %dma_wait3A_11 = arith.constant 0 : i32
    %dma_wait3A_12 = arith.constant 0 : i32
    %dma_wait3A_13 = tpu.memref_slice %arg4[%dma_wait3A_11, %dma_wait3A_12] : memref<32776x512xf32, #tpu.memory_space<hbm>> -> memref<32776x512xf32, #tpu.memory_space<hbm>>
    tpu.wait_indirect_dma semaphore(%arg14 : memref<!tpu.dma_semaphore, #tpu.memory_space<semaphore_mem>>) src(%arg6 : memref<16x512xf32, #tpu.memory_space<vmem>>) dst(%dma_wait3A_13 : memref<32776x512xf32, #tpu.memory_space<hbm>>)
    %dma_wait3A_14 = arith.constant 0 : i32
    %dma_wait3A_15 = arith.constant 0 : i32
    %dma_wait3A_16 = tpu.memref_slice %arg5[%dma_wait3A_14, %dma_wait3A_15] : memref<128x16xi32, #tpu.memory_space<vmem>> -> memref<1x16xi32, #tpu.memory_space<vmem>>
    %dma_wait3A_17 = tpu.memref_squeeze %dma_wait3A_16 : memref<1x16xi32, #tpu.memory_space<vmem>> -> memref<16xi32, #tpu.memory_space<vmem>>
    %dma_wait3A_18 = arith.constant 0 : i32
    %dma_wait3A_19 = arith.constant 0 : i32
    %dma_wait3A_20 = tpu.memref_slice %arg4[%dma_wait3A_18, %dma_wait3A_19] : memref<32776x512xf32, #tpu.memory_space<hbm>> -> memref<32776x512xf32, #tpu.memory_space<hbm>>
    tpu.wait_indirect_dma semaphore(%arg15 : memref<!tpu.dma_semaphore, #tpu.memory_space<semaphore_mem>>) src(%arg7 : memref<16x512xf32, #tpu.memory_space<vmem>>) dst(%dma_wait3A_20 : memref<32776x512xf32, #tpu.memory_space<hbm>>)
    %dma_wait3A_21 = arith.constant 0 : i32
    %dma_wait3A_22 = arith.constant 0 : i32
    %dma_wait3A_23 = tpu.memref_slice %arg5[%dma_wait3A_21, %dma_wait3A_22] : memref<128x16xi32, #tpu.memory_space<vmem>> -> memref<1x16xi32, #tpu.memory_space<vmem>>
    %dma_wait3A_24 = tpu.memref_squeeze %dma_wait3A_23 : memref<1x16xi32, #tpu.memory_space<vmem>> -> memref<16xi32, #tpu.memory_space<vmem>>
    %dma_wait3A_25 = arith.constant 0 : i32
    %dma_wait3A_26 = arith.constant 0 : i32
    %dma_wait3A_27 = tpu.memref_slice %arg4[%dma_wait3A_25, %dma_wait3A_26] : memref<32776x512xf32, #tpu.memory_space<hbm>> -> memref<32776x512xf32, #tpu.memory_space<hbm>>
    tpu.wait_indirect_dma semaphore(%arg16 : memref<!tpu.dma_semaphore, #tpu.memory_space<semaphore_mem>>) src(%arg8 : memref<16x512xf32, #tpu.memory_space<vmem>>) dst(%dma_wait3A_27 : memref<32776x512xf32, #tpu.memory_space<hbm>>)
    %dma_wait3A_28 = arith.constant 0 : i32
    %dma_wait3A_29 = arith.constant 0 : i32
    %dma_wait3A_30 = tpu.memref_slice %arg5[%dma_wait3A_28, %dma_wait3A_29] : memref<128x16xi32, #tpu.memory_space<vmem>> -> memref<1x16xi32, #tpu.memory_space<vmem>>
    %dma_wait3A_31 = tpu.memref_squeeze %dma_wait3A_30 : memref<1x16xi32, #tpu.memory_space<vmem>> -> memref<16xi32, #tpu.memory_space<vmem>>
    %dma_wait3A_32 = arith.constant 0 : i32
    %dma_wait3A_33 = arith.constant 0 : i32
    %dma_wait3A_34 = tpu.memref_slice %arg4[%dma_wait3A_32, %dma_wait3A_33] : memref<32776x512xf32, #tpu.memory_space<hbm>> -> memref<32776x512xf32, #tpu.memory_space<hbm>>
    tpu.wait_indirect_dma semaphore(%arg17 : memref<!tpu.dma_semaphore, #tpu.memory_space<semaphore_mem>>) src(%arg9 : memref<16x512xf32, #tpu.memory_space<vmem>>) dst(%dma_wait3A_34 : memref<32776x512xf32, #tpu.memory_space<hbm>>)
    %dma_wait3A_35 = arith.constant 0 : i32
    %dma_wait3A_36 = arith.constant 0 : i32
    %dma_wait3A_37 = tpu.memref_slice %arg5[%dma_wait3A_35, %dma_wait3A_36] : memref<128x16xi32, #tpu.memory_space<vmem>> -> memref<1x16xi32, #tpu.memory_space<vmem>>
    %dma_wait3A_38 = tpu.memref_squeeze %dma_wait3A_37 : memref<1x16xi32, #tpu.memory_space<vmem>> -> memref<16xi32, #tpu.memory_space<vmem>>
    %dma_wait3A_39 = arith.constant 0 : i32
    %dma_wait3A_40 = arith.constant 0 : i32
    %dma_wait3A_41 = tpu.memref_slice %arg4[%dma_wait3A_39, %dma_wait3A_40] : memref<32776x512xf32, #tpu.memory_space<hbm>> -> memref<32776x512xf32, #tpu.memory_space<hbm>>
    tpu.wait_indirect_dma semaphore(%arg18 : memref<!tpu.dma_semaphore, #tpu.memory_space<semaphore_mem>>) src(%arg10 : memref<16x512xf32, #tpu.memory_space<vmem>>) dst(%dma_wait3A_41 : memref<32776x512xf32, #tpu.memory_space<hbm>>)
    %dma_wait3A_42 = arith.constant 0 : i32
    %dma_wait3A_43 = arith.constant 0 : i32
    %dma_wait3A_44 = tpu.memref_slice %arg5[%dma_wait3A_42, %dma_wait3A_43] : memref<128x16xi32, #tpu.memory_space<vmem>> -> memref<1x16xi32, #tpu.memory_space<vmem>>
    %dma_wait3A_45 = tpu.memref_squeeze %dma_wait3A_44 : memref<1x16xi32, #tpu.memory_space<vmem>> -> memref<16xi32, #tpu.memory_space<vmem>>
    %dma_wait3A_46 = arith.constant 0 : i32
    %dma_wait3A_47 = arith.constant 0 : i32
    %dma_wait3A_48 = tpu.memref_slice %arg4[%dma_wait3A_46, %dma_wait3A_47] : memref<32776x512xf32, #tpu.memory_space<hbm>> -> memref<32776x512xf32, #tpu.memory_space<hbm>>
    tpu.wait_indirect_dma semaphore(%arg19 : memref<!tpu.dma_semaphore, #tpu.memory_space<semaphore_mem>>) src(%arg11 : memref<16x512xf32, #tpu.memory_space<vmem>>) dst(%dma_wait3A_48 : memref<32776x512xf32, #tpu.memory_space<hbm>>)
    %dma_wait3A_49 = arith.constant 0 : i32
    %dma_wait3A_50 = arith.constant 0 : i32
    %dma_wait3A_51 = tpu.memref_slice %arg5[%dma_wait3A_49, %dma_wait3A_50] : memref<128x16xi32, #tpu.memory_space<vmem>> -> memref<1x16xi32, #tpu.memory_space<vmem>>
    %dma_wait3A_52 = tpu.memref_squeeze %dma_wait3A_51 : memref<1x16xi32, #tpu.memory_space<vmem>> -> memref<16xi32, #tpu.memory_space<vmem>>
    %dma_wait3A_53 = arith.constant 0 : i32
    %dma_wait3A_54 = arith.constant 0 : i32
    %dma_wait3A_55 = tpu.memref_slice %arg4[%dma_wait3A_53, %dma_wait3A_54] : memref<32776x512xf32, #tpu.memory_space<hbm>> -> memref<32776x512xf32, #tpu.memory_space<hbm>>
    tpu.wait_indirect_dma semaphore(%arg20 : memref<!tpu.dma_semaphore, #tpu.memory_space<semaphore_mem>>) src(%arg12 : memref<16x512xf32, #tpu.memory_space<vmem>>) dst(%dma_wait3A_55 : memref<32776x512xf32, #tpu.memory_space<hbm>>)
    %dma_wait3A_56 = arith.constant 0 : i32
    %dma_wait3A_57 = arith.constant 0 : i32
    %dma_wait3A_58 = tpu.memref_slice %arg5[%dma_wait3A_56, %dma_wait3A_57] : memref<128x16xi32, #tpu.memory_space<vmem>> -> memref<1x16xi32, #tpu.memory_space<vmem>>
    %dma_wait3A_59 = tpu.memref_squeeze %dma_wait3A_58 : memref<1x16xi32, #tpu.memory_space<vmem>> -> memref<16xi32, #tpu.memory_space<vmem>>
    %dma_wait3A_60 = arith.constant 0 : i32
    %dma_wait3A_61 = arith.constant 0 : i32
    %dma_wait3A_62 = tpu.memref_slice %arg4[%dma_wait3A_60, %dma_wait3A_61] : memref<32776x512xf32, #tpu.memory_space<hbm>> -> memref<32776x512xf32, #tpu.memory_space<hbm>>
    tpu.wait_indirect_dma semaphore(%arg21 : memref<!tpu.dma_semaphore, #tpu.memory_space<semaphore_mem>>) src(%arg13 : memref<16x512xf32, #tpu.memory_space<vmem>>) dst(%dma_wait3A_62 : memref<32776x512xf32, #tpu.memory_space<hbm>>)
    return
  }
}

module attributes {stable_mosaic.version = 14 : i64} {
  func.func @_scores_body(%arg0: i32, %arg1: memref<1024x512xf32, #tpu.memory_space<vmem>>, %arg2: memref<512x512xf32, #tpu.memory_space<vmem>>, %arg3: memref<1x512xf32, #tpu.memory_space<vmem>>, %arg4: memref<512x1xf32, #tpu.memory_space<vmem>>, %arg5: memref<1024x1xf32, #tpu.memory_space<vmem>>) attributes {dimension_semantics = [#tpu.dimension_semantics<arbitrary>], iteration_bounds = array<i64: 64>, scalar_prefetch = 0 : i64, scratch_operands = 0 : i64, tpu.core_type = #tpu.core_type<tc>, window_params = [{transform_indices = @transform_0, window_bounds = array<i64: 1024, 512>}, {pipeline_mode = #tpu.pipeline_mode<synchronous>, transform_indices = @transform_1, window_bounds = array<i64: 512, 512>}, {pipeline_mode = #tpu.pipeline_mode<synchronous>, transform_indices = @transform_2, window_bounds = array<i64: 1, 512>}, {pipeline_mode = #tpu.pipeline_mode<synchronous>, transform_indices = @transform_3, window_bounds = array<i64: 512, 1>}, {transform_indices = @transform_4, window_bounds = array<i64: 1024, 1>}]} {
    %get3A = arith.constant 0 : index
    %get3A_0 = arith.constant 0 : index
    %get3A_1 = vector.load %arg1[%get3A, %get3A_0] : memref<1024x512xf32, #tpu.memory_space<vmem>>, vector<1024x512xf32>
    %get3A_2 = arith.constant 0 : index
    %get3A_3 = arith.constant 0 : index
    %get3A_4 = vector.load %arg2[%get3A_2, %get3A_3] : memref<512x512xf32, #tpu.memory_space<vmem>>, vector<512x512xf32>
    %slice3A = vector.extract_strided_slice %get3A_1 {offsets = [0, 0], sizes = [1024, 256], strides = [1, 1]} : vector<1024x512xf32> to vector<1024x256xf32>
    %slice3A_5 = vector.extract_strided_slice %get3A_4 {offsets = [0, 0], sizes = [256, 512], strides = [1, 1]} : vector<512x512xf32> to vector<256x512xf32>
    %dot_general3A = arith.constant dense<0.000000e+00> : vector<1024x512xf32>
    %dot_general3A_6 = tpu.matmul %slice3A, %slice3A_5, %dot_general3A {dimension_numbers = #tpu.dot_dimension_numbers<[1], [0], [0], [1], [0, 0, 1, 1], [], []>, transpose_lhs_hint = false} : vector<1024x256xf32>, vector<256x512xf32>, vector<1024x512xf32> -> vector<1024x512xf32>
    %slice3A_7 = vector.extract_strided_slice %get3A_1 {offsets = [0, 256], sizes = [1024, 256], strides = [1, 1]} : vector<1024x512xf32> to vector<1024x256xf32>
    %slice3A_8 = vector.extract_strided_slice %get3A_4 {offsets = [256, 0], sizes = [256, 512], strides = [1, 1]} : vector<512x512xf32> to vector<256x512xf32>
    %dot_general3A_9 = arith.constant dense<0.000000e+00> : vector<1024x512xf32>
    %dot_general3A_10 = tpu.matmul %slice3A_7, %slice3A_8, %dot_general3A_9 {dimension_numbers = #tpu.dot_dimension_numbers<[1], [0], [0], [1], [0, 0, 1, 1], [], []>, transpose_lhs_hint = false} : vector<1024x256xf32>, vector<256x512xf32>, vector<1024x512xf32> -> vector<1024x512xf32>
    %add3A = arith.addf %dot_general3A_6, %dot_general3A_10 : vector<1024x512xf32>
    %get3A_11 = arith.constant 0 : index
    %get3A_12 = arith.constant 0 : index
    %get3A_13 = vector.load %arg3[%get3A_11, %get3A_12] : memref<1x512xf32, #tpu.memory_space<vmem>>, vector<1x512xf32>
    %add3A_14 = vector.broadcast %get3A_13 : vector<1x512xf32> to vector<1024x512xf32>
    %add3A_15 = arith.addf %add3A, %add3A_14 : vector<1024x512xf32>
    %tanh3A = math.tanh %add3A_15 : vector<1024x512xf32>
    %convert_element_type3A = arith.truncf %tanh3A : vector<1024x512xf32> to vector<1024x512xbf16>
    %get3A_16 = arith.constant 0 : index
    %get3A_17 = arith.constant 0 : index
    %get3A_18 = vector.load %arg4[%get3A_16, %get3A_17] : memref<512x1xf32, #tpu.memory_space<vmem>>, vector<512x1xf32>
    %slice3A_19 = vector.extract_strided_slice %convert_element_type3A {offsets = [0, 0], sizes = [1024, 256], strides = [1, 1]} : vector<1024x512xbf16> to vector<1024x256xbf16>
    %slice3A_20 = vector.extract_strided_slice %get3A_18 {offsets = [0, 0], sizes = [256, 1], strides = [1, 1]} : vector<512x1xf32> to vector<256x1xf32>
    %dot_general3A_21 = arith.constant dense<0.000000e+00> : vector<1024x1xf32>
    %dot_general3A_22 = tpu.matmul %slice3A_19, %slice3A_20, %dot_general3A_21 {dimension_numbers = #tpu.dot_dimension_numbers<[1], [0], [0], [1], [0, 0, 1, 1], [], []>, transpose_lhs_hint = false} : vector<1024x256xbf16>, vector<256x1xf32>, vector<1024x1xf32> -> vector<1024x1xf32>
    %slice3A_23 = vector.extract_strided_slice %convert_element_type3A {offsets = [0, 256], sizes = [1024, 256], strides = [1, 1]} : vector<1024x512xbf16> to vector<1024x256xbf16>
    %slice3A_24 = vector.extract_strided_slice %get3A_18 {offsets = [256, 0], sizes = [256, 1], strides = [1, 1]} : vector<512x1xf32> to vector<256x1xf32>
    %dot_general3A_25 = arith.constant dense<0.000000e+00> : vector<1024x1xf32>
    %dot_general3A_26 = tpu.matmul %slice3A_23, %slice3A_24, %dot_general3A_25 {dimension_numbers = #tpu.dot_dimension_numbers<[1], [0], [0], [1], [0, 0, 1, 1], [], []>, transpose_lhs_hint = false} : vector<1024x256xbf16>, vector<256x1xf32>, vector<1024x1xf32> -> vector<1024x1xf32>
    %add3A_27 = arith.addf %dot_general3A_22, %dot_general3A_26 : vector<1024x1xf32>
    %swap3A = arith.constant 0 : index
    %swap3A_28 = arith.constant 0 : index
    %swap3A_29 = vector.load %arg5[%swap3A, %swap3A_28] : memref<1024x1xf32, #tpu.memory_space<vmem>>, vector<1024x1xf32>
    tpu.vector_store %arg5[%swap3A, %swap3A_28], %add3A_27 {strides = array<i32>} : memref<1024x1xf32, #tpu.memory_space<vmem>>, vector<1024x1xf32>,
    return
  }
  func.func @transform_0(%arg0: i32) -> (i32, i32) {
    %c0_i32 = arith.constant 0 : i32
    %c0_i32_0 = arith.constant 0 : i32
    return %arg0, %c0_i32 : i32, i32
  }
  func.func @transform_1(%arg0: i32) -> (i32, i32) {
    %c0_i32 = arith.constant 0 : i32
    %c0_i32_0 = arith.constant 0 : i32
    %c0_i32_1 = arith.constant 0 : i32
    return %c0_i32, %c0_i32_0 : i32, i32
  }
  func.func @transform_2(%arg0: i32) -> (i32, i32) {
    %c0_i32 = arith.constant 0 : i32
    %c0_i32_0 = arith.constant 0 : i32
    %c0_i32_1 = arith.constant 0 : i32
    return %c0_i32, %c0_i32_0 : i32, i32
  }
  func.func @transform_3(%arg0: i32) -> (i32, i32) {
    %c0_i32 = arith.constant 0 : i32
    %c0_i32_0 = arith.constant 0 : i32
    %c0_i32_1 = arith.constant 0 : i32
    return %c0_i32, %c0_i32_0 : i32, i32
  }
  func.func @transform_4(%arg0: i32) -> (i32, i32) {
    %c0_i32 = arith.constant 0 : i32
    %c0_i32_0 = arith.constant 0 : i32
    return %arg0, %c0_i32 : i32, i32
  }
}

module attributes {stable_mosaic.version = 14 : i64} {
  func.func @_rank_body(%arg0: i32, %arg1: memref<1x1x4096xf32, #tpu.memory_space<vmem>>, %arg2: memref<1x4096x1xf32, #tpu.memory_space<vmem>>, %arg3: memref<1x1x4096xi32, #tpu.memory_space<vmem>>) attributes {dimension_semantics = [#tpu.dimension_semantics<arbitrary>], iteration_bounds = array<i64: 16>, scalar_prefetch = 0 : i64, scratch_operands = 0 : i64, tpu.core_type = #tpu.core_type<tc>, window_params = [{transform_indices = @transform_0, window_bounds = array<i64: 1, 1, 4096>}, {transform_indices = @transform_1, window_bounds = array<i64: 1, 4096, 1>}, {transform_indices = @transform_2, window_bounds = array<i64: 1, 1, 4096>}]} {
    %get3A = arith.constant 0 : index
    %get3A_0 = arith.constant 0 : index
    %get3A_1 = arith.constant 0 : index
    %get3A_2 = vector.load %arg1[%get3A, %get3A_0, %get3A_1] : memref<1x1x4096xf32, #tpu.memory_space<vmem>>, vector<1x1x512xf32>
    %get3A_3 = vector.shape_cast %get3A_2 : vector<1x1x512xf32> to vector<1x512xf32>
    %broadcast_in_dim3A = arith.constant 0 : i32
    %broadcast_in_dim3A_4 = vector.broadcast %broadcast_in_dim3A : i32 to vector<1x512xi32>
    %get3A_5 = arith.constant 0 : index
    %get3A_6 = arith.constant 0 : index
    %get3A_7 = arith.constant 0 : index
    %get3A_8 = vector.load %arg2[%get3A_5, %get3A_6, %get3A_7] : memref<1x4096x1xf32, #tpu.memory_space<vmem>>, vector<1x512x1xf32>
    %get3A_9 = vector.shape_cast %get3A_8 : vector<1x512x1xf32> to vector<512x1xf32>
    %iota3A = tpu.iota {dimensions = array<i32: 0>} : vector<512x512xi32>
    %iota3A_10 = tpu.iota {dimensions = array<i32: 1>} : vector<512x512xi32>
    %gt3A = vector.broadcast %get3A_9 : vector<512x1xf32> to vector<512x512xf32>
    %gt3A_11 = vector.broadcast %get3A_3 : vector<1x512xf32> to vector<512x512xf32>
    %gt3A_12 = arith.cmpf ogt, %gt3A, %gt3A_11 : vector<512x512xf32>
    %eq3A = vector.broadcast %get3A_9 : vector<512x1xf32> to vector<512x512xf32>
    %eq3A_13 = vector.broadcast %get3A_3 : vector<1x512xf32> to vector<512x512xf32>
    %eq3A_14 = arith.cmpf oeq, %eq3A, %eq3A_13 : vector<512x512xf32>
    %lt3A = arith.cmpi slt, %iota3A, %iota3A_10 : vector<512x512xi32>
    %and3A = arith.andi %eq3A_14, %lt3A : vector<512x512xi1>
    %or3A = arith.ori %gt3A_12, %and3A : vector<512x512xi1>
    %jit3A = arith.constant 1 : i32
    %jit3A_15 = arith.constant 0 : i32
    %broadcast_in_dim3A_16 = vector.broadcast %jit3A : i32 to vector<512x512xi32>
    %broadcast_in_dim3A_17 = vector.broadcast %jit3A_15 : i32 to vector<512x512xi32>
    %select_n3A = arith.select %or3A, %broadcast_in_dim3A_16, %broadcast_in_dim3A_17 : vector<512x512xi1>, vector<512x512xi32>
    %reduce_sum3A = arith.constant dense<0> : vector<512xi32>
    %reduce_sum3A_18 = vector.multi_reduction <add>, %select_n3A, %reduce_sum3A [0] : vector<512x512xi32> to vector<512xi32>
    %broadcast_in_dim3A_19 = vector.shape_cast %reduce_sum3A_18 : vector<512xi32> to vector<1x512xi32>
    %add3A = arith.addi %broadcast_in_dim3A_4, %broadcast_in_dim3A_19 : vector<1x512xi32>
    %get3A_20 = arith.constant 0 : index
    %get3A_21 = arith.constant 512 : index
    %get3A_22 = arith.constant 0 : index
    %get3A_23 = vector.load %arg2[%get3A_20, %get3A_21, %get3A_22] : memref<1x4096x1xf32, #tpu.memory_space<vmem>>, vector<1x512x1xf32>
    %get3A_24 = vector.shape_cast %get3A_23 : vector<1x512x1xf32> to vector<512x1xf32>
    %gt3A_25 = vector.broadcast %get3A_24 : vector<512x1xf32> to vector<512x512xf32>
    %gt3A_26 = vector.broadcast %get3A_3 : vector<1x512xf32> to vector<512x512xf32>
    %gt3A_27 = arith.cmpf ogt, %gt3A_25, %gt3A_26 : vector<512x512xf32>
    %jit3A_28 = arith.constant 1 : i32
    %jit3A_29 = arith.constant 0 : i32
    %broadcast_in_dim3A_30 = vector.broadcast %jit3A_28 : i32 to vector<512x512xi32>
    %broadcast_in_dim3A_31 = vector.broadcast %jit3A_29 : i32 to vector<512x512xi32>
    %select_n3A_32 = arith.select %gt3A_27, %broadcast_in_dim3A_30, %broadcast_in_dim3A_31 : vector<512x512xi1>, vector<512x512xi32>
    %reduce_sum3A_33 = arith.constant dense<0> : vector<512xi32>
    %reduce_sum3A_34 = vector.multi_reduction <add>, %select_n3A_32, %reduce_sum3A_33 [0] : vector<512x512xi32> to vector<512xi32>
    %broadcast_in_dim3A_35 = vector.shape_cast %reduce_sum3A_34 : vector<512xi32> to vector<1x512xi32>
    %add3A_36 = arith.addi %add3A, %broadcast_in_dim3A_35 : vector<1x512xi32>
    %get3A_37 = arith.constant 0 : index
    %get3A_38 = arith.constant 1024 : index
    %get3A_39 = arith.constant 0 : index
    %get3A_40 = vector.load %arg2[%get3A_37, %get3A_38, %get3A_39] : memref<1x4096x1xf32, #tpu.memory_space<vmem>>, vector<1x512x1xf32>
    %get3A_41 = vector.shape_cast %get3A_40 : vector<1x512x1xf32> to vector<512x1xf32>
    %gt3A_42 = vector.broadcast %get3A_41 : vector<512x1xf32> to vector<512x512xf32>
    %gt3A_43 = vector.broadcast %get3A_3 : vector<1x512xf32> to vector<512x512xf32>
    %gt3A_44 = arith.cmpf ogt, %gt3A_42, %gt3A_43 : vector<512x512xf32>
    %jit3A_45 = arith.constant 1 : i32
    %jit3A_46 = arith.constant 0 : i32
    %broadcast_in_dim3A_47 = vector.broadcast %jit3A_45 : i32 to vector<512x512xi32>
    %broadcast_in_dim3A_48 = vector.broadcast %jit3A_46 : i32 to vector<512x512xi32>
    %select_n3A_49 = arith.select %gt3A_44, %broadcast_in_dim3A_47, %broadcast_in_dim3A_48 : vector<512x512xi1>, vector<512x512xi32>
    %reduce_sum3A_50 = arith.constant dense<0> : vector<512xi32>
    %reduce_sum3A_51 = vector.multi_reduction <add>, %select_n3A_49, %reduce_sum3A_50 [0] : vector<512x512xi32> to vector<512xi32>
    %broadcast_in_dim3A_52 = vector.shape_cast %reduce_sum3A_51 : vector<512xi32> to vector<1x512xi32>
    %add3A_53 = arith.addi %add3A_36, %broadcast_in_dim3A_52 : vector<1x512xi32>
    %get3A_54 = arith.constant 0 : index
    %get3A_55 = arith.constant 1536 : index
    %get3A_56 = arith.constant 0 : index
    %get3A_57 = vector.load %arg2[%get3A_54, %get3A_55, %get3A_56] : memref<1x4096x1xf32, #tpu.memory_space<vmem>>, vector<1x512x1xf32>
    %get3A_58 = vector.shape_cast %get3A_57 : vector<1x512x1xf32> to vector<512x1xf32>
    %gt3A_59 = vector.broadcast %get3A_58 : vector<512x1xf32> to vector<512x512xf32>
    %gt3A_60 = vector.broadcast %get3A_3 : vector<1x512xf32> to vector<512x512xf32>
    %gt3A_61 = arith.cmpf ogt, %gt3A_59, %gt3A_60 : vector<512x512xf32>
    %jit3A_62 = arith.constant 1 : i32
    %jit3A_63 = arith.constant 0 : i32
    %broadcast_in_dim3A_64 = vector.broadcast %jit3A_62 : i32 to vector<512x512xi32>
    %broadcast_in_dim3A_65 = vector.broadcast %jit3A_63 : i32 to vector<512x512xi32>
    %select_n3A_66 = arith.select %gt3A_61, %broadcast_in_dim3A_64, %broadcast_in_dim3A_65 : vector<512x512xi1>, vector<512x512xi32>
    %reduce_sum3A_67 = arith.constant dense<0> : vector<512xi32>
    %reduce_sum3A_68 = vector.multi_reduction <add>, %select_n3A_66, %reduce_sum3A_67 [0] : vector<512x512xi32> to vector<512xi32>
    %broadcast_in_dim3A_69 = vector.shape_cast %reduce_sum3A_68 : vector<512xi32> to vector<1x512xi32>
    %add3A_70 = arith.addi %add3A_53, %broadcast_in_dim3A_69 : vector<1x512xi32>
    %get3A_71 = arith.constant 0 : index
    %get3A_72 = arith.constant 2048 : index
    %get3A_73 = arith.constant 0 : index
    %get3A_74 = vector.load %arg2[%get3A_71, %get3A_72, %get3A_73] : memref<1x4096x1xf32, #tpu.memory_space<vmem>>, vector<1x512x1xf32>
    %get3A_75 = vector.shape_cast %get3A_74 : vector<1x512x1xf32> to vector<512x1xf32>
    %gt3A_76 = vector.broadcast %get3A_75 : vector<512x1xf32> to vector<512x512xf32>
    %gt3A_77 = vector.broadcast %get3A_3 : vector<1x512xf32> to vector<512x512xf32>
    %gt3A_78 = arith.cmpf ogt, %gt3A_76, %gt3A_77 : vector<512x512xf32>
    %jit3A_79 = arith.constant 1 : i32
    %jit3A_80 = arith.constant 0 : i32
    %broadcast_in_dim3A_81 = vector.broadcast %jit3A_79 : i32 to vector<512x512xi32>
    %broadcast_in_dim3A_82 = vector.broadcast %jit3A_80 : i32 to vector<512x512xi32>
    %select_n3A_83 = arith.select %gt3A_78, %broadcast_in_dim3A_81, %broadcast_in_dim3A_82 : vector<512x512xi1>, vector<512x512xi32>
    %reduce_sum3A_84 = arith.constant dense<0> : vector<512xi32>
    %reduce_sum3A_85 = vector.multi_reduction <add>, %select_n3A_83, %reduce_sum3A_84 [0] : vector<512x512xi32> to vector<512xi32>
    %broadcast_in_dim3A_86 = vector.shape_cast %reduce_sum3A_85 : vector<512xi32> to vector<1x512xi32>
    %add3A_87 = arith.addi %add3A_70, %broadcast_in_dim3A_86 : vector<1x512xi32>
    %get3A_88 = arith.constant 0 : index
    %get3A_89 = arith.constant 2560 : index
    %get3A_90 = arith.constant 0 : index
    %get3A_91 = vector.load %arg2[%get3A_88, %get3A_89, %get3A_90] : memref<1x4096x1xf32, #tpu.memory_space<vmem>>, vector<1x512x1xf32>
    %get3A_92 = vector.shape_cast %get3A_91 : vector<1x512x1xf32> to vector<512x1xf32>
    %gt3A_93 = vector.broadcast %get3A_92 : vector<512x1xf32> to vector<512x512xf32>
    %gt3A_94 = vector.broadcast %get3A_3 : vector<1x512xf32> to vector<512x512xf32>
    %gt3A_95 = arith.cmpf ogt, %gt3A_93, %gt3A_94 : vector<512x512xf32>
    %jit3A_96 = arith.constant 1 : i32
    %jit3A_97 = arith.constant 0 : i32
    %broadcast_in_dim3A_98 = vector.broadcast %jit3A_96 : i32 to vector<512x512xi32>
    %broadcast_in_dim3A_99 = vector.broadcast %jit3A_97 : i32 to vector<512x512xi32>
    %select_n3A_100 = arith.select %gt3A_95, %broadcast_in_dim3A_98, %broadcast_in_dim3A_99 : vector<512x512xi1>, vector<512x512xi32>
    %reduce_sum3A_101 = arith.constant dense<0> : vector<512xi32>
    %reduce_sum3A_102 = vector.multi_reduction <add>, %select_n3A_100, %reduce_sum3A_101 [0] : vector<512x512xi32> to vector<512xi32>
    %broadcast_in_dim3A_103 = vector.shape_cast %reduce_sum3A_102 : vector<512xi32> to vector<1x512xi32>
    %add3A_104 = arith.addi %add3A_87, %broadcast_in_dim3A_103 : vector<1x512xi32>
    %get3A_105 = arith.constant 0 : index
    %get3A_106 = arith.constant 3072 : index
    %get3A_107 = arith.constant 0 : index
    %get3A_108 = vector.load %arg2[%get3A_105, %get3A_106, %get3A_107] : memref<1x4096x1xf32, #tpu.memory_space<vmem>>, vector<1x512x1xf32>
    %get3A_109 = vector.shape_cast %get3A_108 : vector<1x512x1xf32> to vector<512x1xf32>
    %gt3A_110 = vector.broadcast %get3A_109 : vector<512x1xf32> to vector<512x512xf32>
    %gt3A_111 = vector.broadcast %get3A_3 : vector<1x512xf32> to vector<512x512xf32>
    %gt3A_112 = arith.cmpf ogt, %gt3A_110, %gt3A_111 : vector<512x512xf32>
    %jit3A_113 = arith.constant 1 : i32
    %jit3A_114 = arith.constant 0 : i32
    %broadcast_in_dim3A_115 = vector.broadcast %jit3A_113 : i32 to vector<512x512xi32>
    %broadcast_in_dim3A_116 = vector.broadcast %jit3A_114 : i32 to vector<512x512xi32>
    %select_n3A_117 = arith.select %gt3A_112, %broadcast_in_dim3A_115, %broadcast_in_dim3A_116 : vector<512x512xi1>, vector<512x512xi32>
    %reduce_sum3A_118 = arith.constant dense<0> : vector<512xi32>
    %reduce_sum3A_119 = vector.multi_reduction <add>, %select_n3A_117, %reduce_sum3A_118 [0] : vector<512x512xi32> to vector<512xi32>
    %broadcast_in_dim3A_120 = vector.shape_cast %reduce_sum3A_119 : vector<512xi32> to vector<1x512xi32>
    %add3A_121 = arith.addi %add3A_104, %broadcast_in_dim3A_120 : vector<1x512xi32>
    %get3A_122 = arith.constant 0 : index
    %get3A_123 = arith.constant 3584 : index
    %get3A_124 = arith.constant 0 : index
    %get3A_125 = vector.load %arg2[%get3A_122, %get3A_123, %get3A_124] : memref<1x4096x1xf32, #tpu.memory_space<vmem>>, vector<1x512x1xf32>
    %get3A_126 = vector.shape_cast %get3A_125 : vector<1x512x1xf32> to vector<512x1xf32>
    %gt3A_127 = vector.broadcast %get3A_126 : vector<512x1xf32> to vector<512x512xf32>
    %gt3A_128 = vector.broadcast %get3A_3 : vector<1x512xf32> to vector<512x512xf32>
    %gt3A_129 = arith.cmpf ogt, %gt3A_127, %gt3A_128 : vector<512x512xf32>
    %jit3A_130 = arith.constant 1 : i32
    %jit3A_131 = arith.constant 0 : i32
    %broadcast_in_dim3A_132 = vector.broadcast %jit3A_130 : i32 to vector<512x512xi32>
    %broadcast_in_dim3A_133 = vector.broadcast %jit3A_131 : i32 to vector<512x512xi32>
    %select_n3A_134 = arith.select %gt3A_129, %broadcast_in_dim3A_132, %broadcast_in_dim3A_133 : vector<512x512xi1>, vector<512x512xi32>
    %reduce_sum3A_135 = arith.constant dense<0> : vector<512xi32>
    %reduce_sum3A_136 = vector.multi_reduction <add>, %select_n3A_134, %reduce_sum3A_135 [0] : vector<512x512xi32> to vector<512xi32>
    %broadcast_in_dim3A_137 = vector.shape_cast %reduce_sum3A_136 : vector<512xi32> to vector<1x512xi32>
    %add3A_138 = arith.addi %add3A_121, %broadcast_in_dim3A_137 : vector<1x512xi32>
    %lt3A_139 = arith.constant 2048 : i32
    %lt3A_140 = vector.broadcast %lt3A_139 : i32 to vector<1x512xi32>
    %lt3A_141 = arith.cmpi slt, %add3A_138, %lt3A_140 : vector<1x512xi32>
    %mul3A = arith.constant 2048 : i32
    %mul3A_142 = arith.muli %arg0, %mul3A : i32
    %add3A_143 = vector.broadcast %mul3A_142 : i32 to vector<1x512xi32>
    %add3A_144 = arith.addi %add3A_143, %add3A_138 : vector<1x512xi32>
    %jit3A_145 = arith.constant 32768 : i32
    %broadcast_in_dim3A_146 = vector.broadcast %jit3A_145 : i32 to vector<1x512xi32>
    %select_n3A_147 = arith.select %lt3A_141, %add3A_144, %broadcast_in_dim3A_146 : vector<1x512xi1>, vector<1x512xi32>
    %swap3A = arith.constant 0 : index
    %swap3A_148 = arith.constant 0 : index
    %swap3A_149 = arith.constant 0 : index
    %swap3A_150 = vector.load %arg3[%swap3A, %swap3A_148, %swap3A_149] : memref<1x1x4096xi32, #tpu.memory_space<vmem>>, vector<1x1x512xi32>
    %swap3A_151 = vector.shape_cast %swap3A_150 : vector<1x1x512xi32> to vector<1x512xi32>
    %swap3A_152 = vector.shape_cast %select_n3A_147 : vector<1x512xi32> to vector<1x1x512xi32>
    tpu.vector_store %arg3[%swap3A, %swap3A_148, %swap3A_149], %swap3A_152 {strides = array<i32>} : memref<1x1x4096xi32, #tpu.memory_space<vmem>>, vector<1x1x512xi32>,
    %get3A_153 = arith.constant 0 : index
    %get3A_154 = arith.constant 0 : index
    %get3A_155 = arith.constant 512 : index
    %get3A_156 = vector.load %arg1[%get3A_153, %get3A_154, %get3A_155] : memref<1x1x4096xf32, #tpu.memory_space<vmem>>, vector<1x1x512xf32>
    %get3A_157 = vector.shape_cast %get3A_156 : vector<1x1x512xf32> to vector<1x512xf32>
    %broadcast_in_dim3A_158 = arith.constant 0 : i32
    %broadcast_in_dim3A_159 = vector.broadcast %broadcast_in_dim3A_158 : i32 to vector<1x512xi32>
    %get3A_160 = arith.constant 0 : index
    %get3A_161 = arith.constant 0 : index
    %get3A_162 = arith.constant 0 : index
    %get3A_163 = vector.load %arg2[%get3A_160, %get3A_161, %get3A_162] : memref<1x4096x1xf32, #tpu.memory_space<vmem>>, vector<1x512x1xf32>
    %get3A_164 = vector.shape_cast %get3A_163 : vector<1x512x1xf32> to vector<512x1xf32>
    %ge3A = vector.broadcast %get3A_164 : vector<512x1xf32> to vector<512x512xf32>
    %ge3A_165 = vector.broadcast %get3A_157 : vector<1x512xf32> to vector<512x512xf32>
    %ge3A_166 = arith.cmpf oge, %ge3A, %ge3A_165 : vector<512x512xf32>
    %jit3A_167 = arith.constant 1 : i32
    %jit3A_168 = arith.constant 0 : i32
    %broadcast_in_dim3A_169 = vector.broadcast %jit3A_167 : i32 to vector<512x512xi32>
    %broadcast_in_dim3A_170 = vector.broadcast %jit3A_168 : i32 to vector<512x512xi32>
    %select_n3A_171 = arith.select %ge3A_166, %broadcast_in_dim3A_169, %broadcast_in_dim3A_170 : vector<512x512xi1>, vector<512x512xi32>
    %reduce_sum3A_172 = arith.constant dense<0> : vector<512xi32>
    %reduce_sum3A_173 = vector.multi_reduction <add>, %select_n3A_171, %reduce_sum3A_172 [0] : vector<512x512xi32> to vector<512xi32>
    %broadcast_in_dim3A_174 = vector.shape_cast %reduce_sum3A_173 : vector<512xi32> to vector<1x512xi32>
    %add3A_175 = arith.addi %broadcast_in_dim3A_159, %broadcast_in_dim3A_174 : vector<1x512xi32>
    %get3A_176 = arith.constant 0 : index
    %get3A_177 = arith.constant 512 : index
    %get3A_178 = arith.constant 0 : index
    %get3A_179 = vector.load %arg2[%get3A_176, %get3A_177, %get3A_178] : memref<1x4096x1xf32, #tpu.memory_space<vmem>>, vector<1x512x1xf32>
    %get3A_180 = vector.shape_cast %get3A_179 : vector<1x512x1xf32> to vector<512x1xf32>
    %iota3A_181 = tpu.iota {dimensions = array<i32: 0>} : vector<512x512xi32>
    %iota3A_182 = tpu.iota {dimensions = array<i32: 1>} : vector<512x512xi32>
    %gt3A_183 = vector.broadcast %get3A_180 : vector<512x1xf32> to vector<512x512xf32>
    %gt3A_184 = vector.broadcast %get3A_157 : vector<1x512xf32> to vector<512x512xf32>
    %gt3A_185 = arith.cmpf ogt, %gt3A_183, %gt3A_184 : vector<512x512xf32>
    %eq3A_186 = vector.broadcast %get3A_180 : vector<512x1xf32> to vector<512x512xf32>
    %eq3A_187 = vector.broadcast %get3A_157 : vector<1x512xf32> to vector<512x512xf32>
    %eq3A_188 = arith.cmpf oeq, %eq3A_186, %eq3A_187 : vector<512x512xf32>
    %lt3A_189 = arith.cmpi slt, %iota3A_181, %iota3A_182 : vector<512x512xi32>
    %and3A_190 = arith.andi %eq3A_188, %lt3A_189 : vector<512x512xi1>
    %or3A_191 = arith.ori %gt3A_185, %and3A_190 : vector<512x512xi1>
    %jit3A_192 = arith.constant 1 : i32
    %jit3A_193 = arith.constant 0 : i32
    %broadcast_in_dim3A_194 = vector.broadcast %jit3A_192 : i32 to vector<512x512xi32>
    %broadcast_in_dim3A_195 = vector.broadcast %jit3A_193 : i32 to vector<512x512xi32>
    %select_n3A_196 = arith.select %or3A_191, %broadcast_in_dim3A_194, %broadcast_in_dim3A_195 : vector<512x512xi1>, vector<512x512xi32>
    %reduce_sum3A_197 = arith.constant dense<0> : vector<512xi32>
    %reduce_sum3A_198 = vector.multi_reduction <add>, %select_n3A_196, %reduce_sum3A_197 [0] : vector<512x512xi32> to vector<512xi32>
    %broadcast_in_dim3A_199 = vector.shape_cast %reduce_sum3A_198 : vector<512xi32> to vector<1x512xi32>
    %add3A_200 = arith.addi %add3A_175, %broadcast_in_dim3A_199 : vector<1x512xi32>
    %get3A_201 = arith.constant 0 : index
    %get3A_202 = arith.constant 1024 : index
    %get3A_203 = arith.constant 0 : index
    %get3A_204 = vector.load %arg2[%get3A_201, %get3A_202, %get3A_203] : memref<1x4096x1xf32, #tpu.memory_space<vmem>>, vector<1x512x1xf32>
    %get3A_205 = vector.shape_cast %get3A_204 : vector<1x512x1xf32> to vector<512x1xf32>
    %gt3A_206 = vector.broadcast %get3A_205 : vector<512x1xf32> to vector<512x512xf32>
    %gt3A_207 = vector.broadcast %get3A_157 : vector<1x512xf32> to vector<512x512xf32>
    %gt3A_208 = arith.cmpf ogt, %gt3A_206, %gt3A_207 : vector<512x512xf32>
    %jit3A_209 = arith.constant 1 : i32
    %jit3A_210 = arith.constant 0 : i32
    %broadcast_in_dim3A_211 = vector.broadcast %jit3A_209 : i32 to vector<512x512xi32>
    %broadcast_in_dim3A_212 = vector.broadcast %jit3A_210 : i32 to vector<512x512xi32>
    %select_n3A_213 = arith.select %gt3A_208, %broadcast_in_dim3A_211, %broadcast_in_dim3A_212 : vector<512x512xi1>, vector<512x512xi32>
    %reduce_sum3A_214 = arith.constant dense<0> : vector<512xi32>
    %reduce_sum3A_215 = vector.multi_reduction <add>, %select_n3A_213, %reduce_sum3A_214 [0] : vector<512x512xi32> to vector<512xi32>
    %broadcast_in_dim3A_216 = vector.shape_cast %reduce_sum3A_215 : vector<512xi32> to vector<1x512xi32>
    %add3A_217 = arith.addi %add3A_200, %broadcast_in_dim3A_216 : vector<1x512xi32>
    %get3A_218 = arith.constant 0 : index
    %get3A_219 = arith.constant 1536 : index
    %get3A_220 = arith.constant 0 : index
    %get3A_221 = vector.load %arg2[%get3A_218, %get3A_219, %get3A_220] : memref<1x4096x1xf32, #tpu.memory_space<vmem>>, vector<1x512x1xf32>
    %get3A_222 = vector.shape_cast %get3A_221 : vector<1x512x1xf32> to vector<512x1xf32>
    %gt3A_223 = vector.broadcast %get3A_222 : vector<512x1xf32> to vector<512x512xf32>
    %gt3A_224 = vector.broadcast %get3A_157 : vector<1x512xf32> to vector<512x512xf32>
    %gt3A_225 = arith.cmpf ogt, %gt3A_223, %gt3A_224 : vector<512x512xf32>
    %jit3A_226 = arith.constant 1 : i32
    %jit3A_227 = arith.constant 0 : i32
    %broadcast_in_dim3A_228 = vector.broadcast %jit3A_226 : i32 to vector<512x512xi32>
    %broadcast_in_dim3A_229 = vector.broadcast %jit3A_227 : i32 to vector<512x512xi32>
    %select_n3A_230 = arith.select %gt3A_225, %broadcast_in_dim3A_228, %broadcast_in_dim3A_229 : vector<512x512xi1>, vector<512x512xi32>
    %reduce_sum3A_231 = arith.constant dense<0> : vector<512xi32>
    %reduce_sum3A_232 = vector.multi_reduction <add>, %select_n3A_230, %reduce_sum3A_231 [0] : vector<512x512xi32> to vector<512xi32>
    %broadcast_in_dim3A_233 = vector.shape_cast %reduce_sum3A_232 : vector<512xi32> to vector<1x512xi32>
    %add3A_234 = arith.addi %add3A_217, %broadcast_in_dim3A_233 : vector<1x512xi32>
    %get3A_235 = arith.constant 0 : index
    %get3A_236 = arith.constant 2048 : index
    %get3A_237 = arith.constant 0 : index
    %get3A_238 = vector.load %arg2[%get3A_235, %get3A_236, %get3A_237] : memref<1x4096x1xf32, #tpu.memory_space<vmem>>, vector<1x512x1xf32>
    %get3A_239 = vector.shape_cast %get3A_238 : vector<1x512x1xf32> to vector<512x1xf32>
    %gt3A_240 = vector.broadcast %get3A_239 : vector<512x1xf32> to vector<512x512xf32>
    %gt3A_241 = vector.broadcast %get3A_157 : vector<1x512xf32> to vector<512x512xf32>
    %gt3A_242 = arith.cmpf ogt, %gt3A_240, %gt3A_241 : vector<512x512xf32>
    %jit3A_243 = arith.constant 1 : i32
    %jit3A_244 = arith.constant 0 : i32
    %broadcast_in_dim3A_245 = vector.broadcast %jit3A_243 : i32 to vector<512x512xi32>
    %broadcast_in_dim3A_246 = vector.broadcast %jit3A_244 : i32 to vector<512x512xi32>
    %select_n3A_247 = arith.select %gt3A_242, %broadcast_in_dim3A_245, %broadcast_in_dim3A_246 : vector<512x512xi1>, vector<512x512xi32>
    %reduce_sum3A_248 = arith.constant dense<0> : vector<512xi32>
    %reduce_sum3A_249 = vector.multi_reduction <add>, %select_n3A_247, %reduce_sum3A_248 [0] : vector<512x512xi32> to vector<512xi32>
    %broadcast_in_dim3A_250 = vector.shape_cast %reduce_sum3A_249 : vector<512xi32> to vector<1x512xi32>
    %add3A_251 = arith.addi %add3A_234, %broadcast_in_dim3A_250 : vector<1x512xi32>
    %get3A_252 = arith.constant 0 : index
    %get3A_253 = arith.constant 2560 : index
    %get3A_254 = arith.constant 0 : index
    %get3A_255 = vector.load %arg2[%get3A_252, %get3A_253, %get3A_254] : memref<1x4096x1xf32, #tpu.memory_space<vmem>>, vector<1x512x1xf32>
    %get3A_256 = vector.shape_cast %get3A_255 : vector<1x512x1xf32> to vector<512x1xf32>
    %gt3A_257 = vector.broadcast %get3A_256 : vector<512x1xf32> to vector<512x512xf32>
    %gt3A_258 = vector.broadcast %get3A_157 : vector<1x512xf32> to vector<512x512xf32>
    %gt3A_259 = arith.cmpf ogt, %gt3A_257, %gt3A_258 : vector<512x512xf32>
    %jit3A_260 = arith.constant 1 : i32
    %jit3A_261 = arith.constant 0 : i32
    %broadcast_in_dim3A_262 = vector.broadcast %jit3A_260 : i32 to vector<512x512xi32>
    %broadcast_in_dim3A_263 = vector.broadcast %jit3A_261 : i32 to vector<512x512xi32>
    %select_n3A_264 = arith.select %gt3A_259, %broadcast_in_dim3A_262, %broadcast_in_dim3A_263 : vector<512x512xi1>, vector<512x512xi32>
    %reduce_sum3A_265 = arith.constant dense<0> : vector<512xi32>
    %reduce_sum3A_266 = vector.multi_reduction <add>, %select_n3A_264, %reduce_sum3A_265 [0] : vector<512x512xi32> to vector<512xi32>
    %broadcast_in_dim3A_267 = vector.shape_cast %reduce_sum3A_266 : vector<512xi32> to vector<1x512xi32>
    %add3A_268 = arith.addi %add3A_251, %broadcast_in_dim3A_267 : vector<1x512xi32>
    %get3A_269 = arith.constant 0 : index
    %get3A_270 = arith.constant 3072 : index
    %get3A_271 = arith.constant 0 : index
    %get3A_272 = vector.load %arg2[%get3A_269, %get3A_270, %get3A_271] : memref<1x4096x1xf32, #tpu.memory_space<vmem>>, vector<1x512x1xf32>
    %get3A_273 = vector.shape_cast %get3A_272 : vector<1x512x1xf32> to vector<512x1xf32>
    %gt3A_274 = vector.broadcast %get3A_273 : vector<512x1xf32> to vector<512x512xf32>
    %gt3A_275 = vector.broadcast %get3A_157 : vector<1x512xf32> to vector<512x512xf32>
    %gt3A_276 = arith.cmpf ogt, %gt3A_274, %gt3A_275 : vector<512x512xf32>
    %jit3A_277 = arith.constant 1 : i32
    %jit3A_278 = arith.constant 0 : i32
    %broadcast_in_dim3A_279 = vector.broadcast %jit3A_277 : i32 to vector<512x512xi32>
    %broadcast_in_dim3A_280 = vector.broadcast %jit3A_278 : i32 to vector<512x512xi32>
    %select_n3A_281 = arith.select %gt3A_276, %broadcast_in_dim3A_279, %broadcast_in_dim3A_280 : vector<512x512xi1>, vector<512x512xi32>
    %reduce_sum3A_282 = arith.constant dense<0> : vector<512xi32>
    %reduce_sum3A_283 = vector.multi_reduction <add>, %select_n3A_281, %reduce_sum3A_282 [0] : vector<512x512xi32> to vector<512xi32>
    %broadcast_in_dim3A_284 = vector.shape_cast %reduce_sum3A_283 : vector<512xi32> to vector<1x512xi32>
    %add3A_285 = arith.addi %add3A_268, %broadcast_in_dim3A_284 : vector<1x512xi32>
    %get3A_286 = arith.constant 0 : index
    %get3A_287 = arith.constant 3584 : index
    %get3A_288 = arith.constant 0 : index
    %get3A_289 = vector.load %arg2[%get3A_286, %get3A_287, %get3A_288] : memref<1x4096x1xf32, #tpu.memory_space<vmem>>, vector<1x512x1xf32>
    %get3A_290 = vector.shape_cast %get3A_289 : vector<1x512x1xf32> to vector<512x1xf32>
    %gt3A_291 = vector.broadcast %get3A_290 : vector<512x1xf32> to vector<512x512xf32>
    %gt3A_292 = vector.broadcast %get3A_157 : vector<1x512xf32> to vector<512x512xf32>
    %gt3A_293 = arith.cmpf ogt, %gt3A_291, %gt3A_292 : vector<512x512xf32>
    %jit3A_294 = arith.constant 1 : i32
    %jit3A_295 = arith.constant 0 : i32
    %broadcast_in_dim3A_296 = vector.broadcast %jit3A_294 : i32 to vector<512x512xi32>
    %broadcast_in_dim3A_297 = vector.broadcast %jit3A_295 : i32 to vector<512x512xi32>
    %select_n3A_298 = arith.select %gt3A_293, %broadcast_in_dim3A_296, %broadcast_in_dim3A_297 : vector<512x512xi1>, vector<512x512xi32>
    %reduce_sum3A_299 = arith.constant dense<0> : vector<512xi32>
    %reduce_sum3A_300 = vector.multi_reduction <add>, %select_n3A_298, %reduce_sum3A_299 [0] : vector<512x512xi32> to vector<512xi32>
    %broadcast_in_dim3A_301 = vector.shape_cast %reduce_sum3A_300 : vector<512xi32> to vector<1x512xi32>
    %add3A_302 = arith.addi %add3A_285, %broadcast_in_dim3A_301 : vector<1x512xi32>
    %lt3A_303 = arith.constant 2048 : i32
    %lt3A_304 = vector.broadcast %lt3A_303 : i32 to vector<1x512xi32>
    %lt3A_305 = arith.cmpi slt, %add3A_302, %lt3A_304 : vector<1x512xi32>
    %mul3A_306 = arith.constant 2048 : i32
    %mul3A_307 = arith.muli %arg0, %mul3A_306 : i32
    %add3A_308 = vector.broadcast %mul3A_307 : i32 to vector<1x512xi32>
    %add3A_309 = arith.addi %add3A_308, %add3A_302 : vector<1x512xi32>
    %jit3A_310 = arith.constant 32768 : i32
    %broadcast_in_dim3A_311 = vector.broadcast %jit3A_310 : i32 to vector<1x512xi32>
    %select_n3A_312 = arith.select %lt3A_305, %add3A_309, %broadcast_in_dim3A_311 : vector<1x512xi1>, vector<1x512xi32>
    %swap3A_313 = arith.constant 0 : index
    %swap3A_314 = arith.constant 0 : index
    %swap3A_315 = arith.constant 512 : index
    %swap3A_316 = vector.load %arg3[%swap3A_313, %swap3A_314, %swap3A_315] : memref<1x1x4096xi32, #tpu.memory_space<vmem>>, vector<1x1x512xi32>
    %swap3A_317 = vector.shape_cast %swap3A_316 : vector<1x1x512xi32> to vector<1x512xi32>
    %swap3A_318 = vector.shape_cast %select_n3A_312 : vector<1x512xi32> to vector<1x1x512xi32>
    tpu.vector_store %arg3[%swap3A_313, %swap3A_314, %swap3A_315], %swap3A_318 {strides = array<i32>} : memref<1x1x4096xi32, #tpu.memory_space<vmem>>, vector<1x1x512xi32>,
    %get3A_319 = arith.constant 0 : index
    %get3A_320 = arith.constant 0 : index
    %get3A_321 = arith.constant 1024 : index
    %get3A_322 = vector.load %arg1[%get3A_319, %get3A_320, %get3A_321] : memref<1x1x4096xf32, #tpu.memory_space<vmem>>, vector<1x1x512xf32>
    %get3A_323 = vector.shape_cast %get3A_322 : vector<1x1x512xf32> to vector<1x512xf32>
    %broadcast_in_dim3A_324 = arith.constant 0 : i32
    %broadcast_in_dim3A_325 = vector.broadcast %broadcast_in_dim3A_324 : i32 to vector<1x512xi32>
    %get3A_326 = arith.constant 0 : index
    %get3A_327 = arith.constant 0 : index
    %get3A_328 = arith.constant 0 : index
    %get3A_329 = vector.load %arg2[%get3A_326, %get3A_327, %get3A_328] : memref<1x4096x1xf32, #tpu.memory_space<vmem>>, vector<1x512x1xf32>
    %get3A_330 = vector.shape_cast %get3A_329 : vector<1x512x1xf32> to vector<512x1xf32>
    %ge3A_331 = vector.broadcast %get3A_330 : vector<512x1xf32> to vector<512x512xf32>
    %ge3A_332 = vector.broadcast %get3A_323 : vector<1x512xf32> to vector<512x512xf32>
    %ge3A_333 = arith.cmpf oge, %ge3A_331, %ge3A_332 : vector<512x512xf32>
    %jit3A_334 = arith.constant 1 : i32
    %jit3A_335 = arith.constant 0 : i32
    %broadcast_in_dim3A_336 = vector.broadcast %jit3A_334 : i32 to vector<512x512xi32>
    %broadcast_in_dim3A_337 = vector.broadcast %jit3A_335 : i32 to vector<512x512xi32>
    %select_n3A_338 = arith.select %ge3A_333, %broadcast_in_dim3A_336, %broadcast_in_dim3A_337 : vector<512x512xi1>, vector<512x512xi32>
    %reduce_sum3A_339 = arith.constant dense<0> : vector<512xi32>
    %reduce_sum3A_340 = vector.multi_reduction <add>, %select_n3A_338, %reduce_sum3A_339 [0] : vector<512x512xi32> to vector<512xi32>
    %broadcast_in_dim3A_341 = vector.shape_cast %reduce_sum3A_340 : vector<512xi32> to vector<1x512xi32>
    %add3A_342 = arith.addi %broadcast_in_dim3A_325, %broadcast_in_dim3A_341 : vector<1x512xi32>
    %get3A_343 = arith.constant 0 : index
    %get3A_344 = arith.constant 512 : index
    %get3A_345 = arith.constant 0 : index
    %get3A_346 = vector.load %arg2[%get3A_343, %get3A_344, %get3A_345] : memref<1x4096x1xf32, #tpu.memory_space<vmem>>, vector<1x512x1xf32>
    %get3A_347 = vector.shape_cast %get3A_346 : vector<1x512x1xf32> to vector<512x1xf32>
    %ge3A_348 = vector.broadcast %get3A_347 : vector<512x1xf32> to vector<512x512xf32>
    %ge3A_349 = vector.broadcast %get3A_323 : vector<1x512xf32> to vector<512x512xf32>
    %ge3A_350 = arith.cmpf oge, %ge3A_348, %ge3A_349 : vector<512x512xf32>
    %jit3A_351 = arith.constant 1 : i32
    %jit3A_352 = arith.constant 0 : i32
    %broadcast_in_dim3A_353 = vector.broadcast %jit3A_351 : i32 to vector<512x512xi32>
    %broadcast_in_dim3A_354 = vector.broadcast %jit3A_352 : i32 to vector<512x512xi32>
    %select_n3A_355 = arith.select %ge3A_350, %broadcast_in_dim3A_353, %broadcast_in_dim3A_354 : vector<512x512xi1>, vector<512x512xi32>
    %reduce_sum3A_356 = arith.constant dense<0> : vector<512xi32>
    %reduce_sum3A_357 = vector.multi_reduction <add>, %select_n3A_355, %reduce_sum3A_356 [0] : vector<512x512xi32> to vector<512xi32>
    %broadcast_in_dim3A_358 = vector.shape_cast %reduce_sum3A_357 : vector<512xi32> to vector<1x512xi32>
    %add3A_359 = arith.addi %add3A_342, %broadcast_in_dim3A_358 : vector<1x512xi32>
    %get3A_360 = arith.constant 0 : index
    %get3A_361 = arith.constant 1024 : index
    %get3A_362 = arith.constant 0 : index
    %get3A_363 = vector.load %arg2[%get3A_360, %get3A_361, %get3A_362] : memref<1x4096x1xf32, #tpu.memory_space<vmem>>, vector<1x512x1xf32>
    %get3A_364 = vector.shape_cast %get3A_363 : vector<1x512x1xf32> to vector<512x1xf32>
    %iota3A_365 = tpu.iota {dimensions = array<i32: 0>} : vector<512x512xi32>
    %iota3A_366 = tpu.iota {dimensions = array<i32: 1>} : vector<512x512xi32>
    %gt3A_367 = vector.broadcast %get3A_364 : vector<512x1xf32> to vector<512x512xf32>
    %gt3A_368 = vector.broadcast %get3A_323 : vector<1x512xf32> to vector<512x512xf32>
    %gt3A_369 = arith.cmpf ogt, %gt3A_367, %gt3A_368 : vector<512x512xf32>
    %eq3A_370 = vector.broadcast %get3A_364 : vector<512x1xf32> to vector<512x512xf32>
    %eq3A_371 = vector.broadcast %get3A_323 : vector<1x512xf32> to vector<512x512xf32>
    %eq3A_372 = arith.cmpf oeq, %eq3A_370, %eq3A_371 : vector<512x512xf32>
    %lt3A_373 = arith.cmpi slt, %iota3A_365, %iota3A_366 : vector<512x512xi32>
    %and3A_374 = arith.andi %eq3A_372, %lt3A_373 : vector<512x512xi1>
    %or3A_375 = arith.ori %gt3A_369, %and3A_374 : vector<512x512xi1>
    %jit3A_376 = arith.constant 1 : i32
    %jit3A_377 = arith.constant 0 : i32
    %broadcast_in_dim3A_378 = vector.broadcast %jit3A_376 : i32 to vector<512x512xi32>
    %broadcast_in_dim3A_379 = vector.broadcast %jit3A_377 : i32 to vector<512x512xi32>
    %select_n3A_380 = arith.select %or3A_375, %broadcast_in_dim3A_378, %broadcast_in_dim3A_379 : vector<512x512xi1>, vector<512x512xi32>
    %reduce_sum3A_381 = arith.constant dense<0> : vector<512xi32>
    %reduce_sum3A_382 = vector.multi_reduction <add>, %select_n3A_380, %reduce_sum3A_381 [0] : vector<512x512xi32> to vector<512xi32>
    %broadcast_in_dim3A_383 = vector.shape_cast %reduce_sum3A_382 : vector<512xi32> to vector<1x512xi32>
    %add3A_384 = arith.addi %add3A_359, %broadcast_in_dim3A_383 : vector<1x512xi32>
    %get3A_385 = arith.constant 0 : index
    %get3A_386 = arith.constant 1536 : index
    %get3A_387 = arith.constant 0 : index
    %get3A_388 = vector.load %arg2[%get3A_385, %get3A_386, %get3A_387] : memref<1x4096x1xf32, #tpu.memory_space<vmem>>, vector<1x512x1xf32>
    %get3A_389 = vector.shape_cast %get3A_388 : vector<1x512x1xf32> to vector<512x1xf32>
    %gt3A_390 = vector.broadcast %get3A_389 : vector<512x1xf32> to vector<512x512xf32>
    %gt3A_391 = vector.broadcast %get3A_323 : vector<1x512xf32> to vector<512x512xf32>
    %gt3A_392 = arith.cmpf ogt, %gt3A_390, %gt3A_391 : vector<512x512xf32>
    %jit3A_393 = arith.constant 1 : i32
    %jit3A_394 = arith.constant 0 : i32
    %broadcast_in_dim3A_395 = vector.broadcast %jit3A_393 : i32 to vector<512x512xi32>
    %broadcast_in_dim3A_396 = vector.broadcast %jit3A_394 : i32 to vector<512x512xi32>
    %select_n3A_397 = arith.select %gt3A_392, %broadcast_in_dim3A_395, %broadcast_in_dim3A_396 : vector<512x512xi1>, vector<512x512xi32>
    %reduce_sum3A_398 = arith.constant dense<0> : vector<512xi32>
    %reduce_sum3A_399 = vector.multi_reduction <add>, %select_n3A_397, %reduce_sum3A_398 [0] : vector<512x512xi32> to vector<512xi32>
    %broadcast_in_dim3A_400 = vector.shape_cast %reduce_sum3A_399 : vector<512xi32> to vector<1x512xi32>
    %add3A_401 = arith.addi %add3A_384, %broadcast_in_dim3A_400 : vector<1x512xi32>
    %get3A_402 = arith.constant 0 : index
    %get3A_403 = arith.constant 2048 : index
    %get3A_404 = arith.constant 0 : index
    %get3A_405 = vector.load %arg2[%get3A_402, %get3A_403, %get3A_404] : memref<1x4096x1xf32, #tpu.memory_space<vmem>>, vector<1x512x1xf32>
    %get3A_406 = vector.shape_cast %get3A_405 : vector<1x512x1xf32> to vector<512x1xf32>
    %gt3A_407 = vector.broadcast %get3A_406 : vector<512x1xf32> to vector<512x512xf32>
    %gt3A_408 = vector.broadcast %get3A_323 : vector<1x512xf32> to vector<512x512xf32>
    %gt3A_409 = arith.cmpf ogt, %gt3A_407, %gt3A_408 : vector<512x512xf32>
    %jit3A_410 = arith.constant 1 : i32
    %jit3A_411 = arith.constant 0 : i32
    %broadcast_in_dim3A_412 = vector.broadcast %jit3A_410 : i32 to vector<512x512xi32>
    %broadcast_in_dim3A_413 = vector.broadcast %jit3A_411 : i32 to vector<512x512xi32>
    %select_n3A_414 = arith.select %gt3A_409, %broadcast_in_dim3A_412, %broadcast_in_dim3A_413 : vector<512x512xi1>, vector<512x512xi32>
    %reduce_sum3A_415 = arith.constant dense<0> : vector<512xi32>
    %reduce_sum3A_416 = vector.multi_reduction <add>, %select_n3A_414, %reduce_sum3A_415 [0] : vector<512x512xi32> to vector<512xi32>
    %broadcast_in_dim3A_417 = vector.shape_cast %reduce_sum3A_416 : vector<512xi32> to vector<1x512xi32>
    %add3A_418 = arith.addi %add3A_401, %broadcast_in_dim3A_417 : vector<1x512xi32>
    %get3A_419 = arith.constant 0 : index
    %get3A_420 = arith.constant 2560 : index
    %get3A_421 = arith.constant 0 : index
    %get3A_422 = vector.load %arg2[%get3A_419, %get3A_420, %get3A_421] : memref<1x4096x1xf32, #tpu.memory_space<vmem>>, vector<1x512x1xf32>
    %get3A_423 = vector.shape_cast %get3A_422 : vector<1x512x1xf32> to vector<512x1xf32>
    %gt3A_424 = vector.broadcast %get3A_423 : vector<512x1xf32> to vector<512x512xf32>
    %gt3A_425 = vector.broadcast %get3A_323 : vector<1x512xf32> to vector<512x512xf32>
    %gt3A_426 = arith.cmpf ogt, %gt3A_424, %gt3A_425 : vector<512x512xf32>
    %jit3A_427 = arith.constant 1 : i32
    %jit3A_428 = arith.constant 0 : i32
    %broadcast_in_dim3A_429 = vector.broadcast %jit3A_427 : i32 to vector<512x512xi32>
    %broadcast_in_dim3A_430 = vector.broadcast %jit3A_428 : i32 to vector<512x512xi32>
    %select_n3A_431 = arith.select %gt3A_426, %broadcast_in_dim3A_429, %broadcast_in_dim3A_430 : vector<512x512xi1>, vector<512x512xi32>
    %reduce_sum3A_432 = arith.constant dense<0> : vector<512xi32>
    %reduce_sum3A_433 = vector.multi_reduction <add>, %select_n3A_431, %reduce_sum3A_432 [0] : vector<512x512xi32> to vector<512xi32>
    %broadcast_in_dim3A_434 = vector.shape_cast %reduce_sum3A_433 : vector<512xi32> to vector<1x512xi32>
    %add3A_435 = arith.addi %add3A_418, %broadcast_in_dim3A_434 : vector<1x512xi32>
    %get3A_436 = arith.constant 0 : index
    %get3A_437 = arith.constant 3072 : index
    %get3A_438 = arith.constant 0 : index
    %get3A_439 = vector.load %arg2[%get3A_436, %get3A_437, %get3A_438] : memref<1x4096x1xf32, #tpu.memory_space<vmem>>, vector<1x512x1xf32>
    %get3A_440 = vector.shape_cast %get3A_439 : vector<1x512x1xf32> to vector<512x1xf32>
    %gt3A_441 = vector.broadcast %get3A_440 : vector<512x1xf32> to vector<512x512xf32>
    %gt3A_442 = vector.broadcast %get3A_323 : vector<1x512xf32> to vector<512x512xf32>
    %gt3A_443 = arith.cmpf ogt, %gt3A_441, %gt3A_442 : vector<512x512xf32>
    %jit3A_444 = arith.constant 1 : i32
    %jit3A_445 = arith.constant 0 : i32
    %broadcast_in_dim3A_446 = vector.broadcast %jit3A_444 : i32 to vector<512x512xi32>
    %broadcast_in_dim3A_447 = vector.broadcast %jit3A_445 : i32 to vector<512x512xi32>
    %select_n3A_448 = arith.select %gt3A_443, %broadcast_in_dim3A_446, %broadcast_in_dim3A_447 : vector<512x512xi1>, vector<512x512xi32>
    %reduce_sum3A_449 = arith.constant dense<0> : vector<512xi32>
    %reduce_sum3A_450 = vector.multi_reduction <add>, %select_n3A_448, %reduce_sum3A_449 [0] : vector<512x512xi32> to vector<512xi32>
    %broadcast_in_dim3A_451 = vector.shape_cast %reduce_sum3A_450 : vector<512xi32> to vector<1x512xi32>
    %add3A_452 = arith.addi %add3A_435, %broadcast_in_dim3A_451 : vector<1x512xi32>
    %get3A_453 = arith.constant 0 : index
    %get3A_454 = arith.constant 3584 : index
    %get3A_455 = arith.constant 0 : index
    %get3A_456 = vector.load %arg2[%get3A_453, %get3A_454, %get3A_455] : memref<1x4096x1xf32, #tpu.memory_space<vmem>>, vector<1x512x1xf32>
    %get3A_457 = vector.shape_cast %get3A_456 : vector<1x512x1xf32> to vector<512x1xf32>
    %gt3A_458 = vector.broadcast %get3A_457 : vector<512x1xf32> to vector<512x512xf32>
    %gt3A_459 = vector.broadcast %get3A_323 : vector<1x512xf32> to vector<512x512xf32>
    %gt3A_460 = arith.cmpf ogt, %gt3A_458, %gt3A_459 : vector<512x512xf32>
    %jit3A_461 = arith.constant 1 : i32
    %jit3A_462 = arith.constant 0 : i32
    %broadcast_in_dim3A_463 = vector.broadcast %jit3A_461 : i32 to vector<512x512xi32>
    %broadcast_in_dim3A_464 = vector.broadcast %jit3A_462 : i32 to vector<512x512xi32>
    %select_n3A_465 = arith.select %gt3A_460, %broadcast_in_dim3A_463, %broadcast_in_dim3A_464 : vector<512x512xi1>, vector<512x512xi32>
    %reduce_sum3A_466 = arith.constant dense<0> : vector<512xi32>
    %reduce_sum3A_467 = vector.multi_reduction <add>, %select_n3A_465, %reduce_sum3A_466 [0] : vector<512x512xi32> to vector<512xi32>
    %broadcast_in_dim3A_468 = vector.shape_cast %reduce_sum3A_467 : vector<512xi32> to vector<1x512xi32>
    %add3A_469 = arith.addi %add3A_452, %broadcast_in_dim3A_468 : vector<1x512xi32>
    %lt3A_470 = arith.constant 2048 : i32
    %lt3A_471 = vector.broadcast %lt3A_470 : i32 to vector<1x512xi32>
    %lt3A_472 = arith.cmpi slt, %add3A_469, %lt3A_471 : vector<1x512xi32>
    %mul3A_473 = arith.constant 2048 : i32
    %mul3A_474 = arith.muli %arg0, %mul3A_473 : i32
    %add3A_475 = vector.broadcast %mul3A_474 : i32 to vector<1x512xi32>
    %add3A_476 = arith.addi %add3A_475, %add3A_469 : vector<1x512xi32>
    %jit3A_477 = arith.constant 32768 : i32
    %broadcast_in_dim3A_478 = vector.broadcast %jit3A_477 : i32 to vector<1x512xi32>
    %select_n3A_479 = arith.select %lt3A_472, %add3A_476, %broadcast_in_dim3A_478 : vector<1x512xi1>, vector<1x512xi32>
    %swap3A_480 = arith.constant 0 : index
    %swap3A_481 = arith.constant 0 : index
    %swap3A_482 = arith.constant 1024 : index
    %swap3A_483 = vector.load %arg3[%swap3A_480, %swap3A_481, %swap3A_482] : memref<1x1x4096xi32, #tpu.memory_space<vmem>>, vector<1x1x512xi32>
    %swap3A_484 = vector.shape_cast %swap3A_483 : vector<1x1x512xi32> to vector<1x512xi32>
    %swap3A_485 = vector.shape_cast %select_n3A_479 : vector<1x512xi32> to vector<1x1x512xi32>
    tpu.vector_store %arg3[%swap3A_480, %swap3A_481, %swap3A_482], %swap3A_485 {strides = array<i32>} : memref<1x1x4096xi32, #tpu.memory_space<vmem>>, vector<1x1x512xi32>,
    %get3A_486 = arith.constant 0 : index
    %get3A_487 = arith.constant 0 : index
    %get3A_488 = arith.constant 1536 : index
    %get3A_489 = vector.load %arg1[%get3A_486, %get3A_487, %get3A_488] : memref<1x1x4096xf32, #tpu.memory_space<vmem>>, vector<1x1x512xf32>
    %get3A_490 = vector.shape_cast %get3A_489 : vector<1x1x512xf32> to vector<1x512xf32>
    %broadcast_in_dim3A_491 = arith.constant 0 : i32
    %broadcast_in_dim3A_492 = vector.broadcast %broadcast_in_dim3A_491 : i32 to vector<1x512xi32>
    %get3A_493 = arith.constant 0 : index
    %get3A_494 = arith.constant 0 : index
    %get3A_495 = arith.constant 0 : index
    %get3A_496 = vector.load %arg2[%get3A_493, %get3A_494, %get3A_495] : memref<1x4096x1xf32, #tpu.memory_space<vmem>>, vector<1x512x1xf32>
    %get3A_497 = vector.shape_cast %get3A_496 : vector<1x512x1xf32> to vector<512x1xf32>
    %ge3A_498 = vector.broadcast %get3A_497 : vector<512x1xf32> to vector<512x512xf32>
    %ge3A_499 = vector.broadcast %get3A_490 : vector<1x512xf32> to vector<512x512xf32>
    %ge3A_500 = arith.cmpf oge, %ge3A_498, %ge3A_499 : vector<512x512xf32>
    %jit3A_501 = arith.constant 1 : i32
    %jit3A_502 = arith.constant 0 : i32
    %broadcast_in_dim3A_503 = vector.broadcast %jit3A_501 : i32 to vector<512x512xi32>
    %broadcast_in_dim3A_504 = vector.broadcast %jit3A_502 : i32 to vector<512x512xi32>
    %select_n3A_505 = arith.select %ge3A_500, %broadcast_in_dim3A_503, %broadcast_in_dim3A_504 : vector<512x512xi1>, vector<512x512xi32>
    %reduce_sum3A_506 = arith.constant dense<0> : vector<512xi32>
    %reduce_sum3A_507 = vector.multi_reduction <add>, %select_n3A_505, %reduce_sum3A_506 [0] : vector<512x512xi32> to vector<512xi32>
    %broadcast_in_dim3A_508 = vector.shape_cast %reduce_sum3A_507 : vector<512xi32> to vector<1x512xi32>
    %add3A_509 = arith.addi %broadcast_in_dim3A_492, %broadcast_in_dim3A_508 : vector<1x512xi32>
    %get3A_510 = arith.constant 0 : index
    %get3A_511 = arith.constant 512 : index
    %get3A_512 = arith.constant 0 : index
    %get3A_513 = vector.load %arg2[%get3A_510, %get3A_511, %get3A_512] : memref<1x4096x1xf32, #tpu.memory_space<vmem>>, vector<1x512x1xf32>
    %get3A_514 = vector.shape_cast %get3A_513 : vector<1x512x1xf32> to vector<512x1xf32>
    %ge3A_515 = vector.broadcast %get3A_514 : vector<512x1xf32> to vector<512x512xf32>
    %ge3A_516 = vector.broadcast %get3A_490 : vector<1x512xf32> to vector<512x512xf32>
    %ge3A_517 = arith.cmpf oge, %ge3A_515, %ge3A_516 : vector<512x512xf32>
    %jit3A_518 = arith.constant 1 : i32
    %jit3A_519 = arith.constant 0 : i32
    %broadcast_in_dim3A_520 = vector.broadcast %jit3A_518 : i32 to vector<512x512xi32>
    %broadcast_in_dim3A_521 = vector.broadcast %jit3A_519 : i32 to vector<512x512xi32>
    %select_n3A_522 = arith.select %ge3A_517, %broadcast_in_dim3A_520, %broadcast_in_dim3A_521 : vector<512x512xi1>, vector<512x512xi32>
    %reduce_sum3A_523 = arith.constant dense<0> : vector<512xi32>
    %reduce_sum3A_524 = vector.multi_reduction <add>, %select_n3A_522, %reduce_sum3A_523 [0] : vector<512x512xi32> to vector<512xi32>
    %broadcast_in_dim3A_525 = vector.shape_cast %reduce_sum3A_524 : vector<512xi32> to vector<1x512xi32>
    %add3A_526 = arith.addi %add3A_509, %broadcast_in_dim3A_525 : vector<1x512xi32>
    %get3A_527 = arith.constant 0 : index
    %get3A_528 = arith.constant 1024 : index
    %get3A_529 = arith.constant 0 : index
    %get3A_530 = vector.load %arg2[%get3A_527, %get3A_528, %get3A_529] : memref<1x4096x1xf32, #tpu.memory_space<vmem>>, vector<1x512x1xf32>
    %get3A_531 = vector.shape_cast %get3A_530 : vector<1x512x1xf32> to vector<512x1xf32>
    %ge3A_532 = vector.broadcast %get3A_531 : vector<512x1xf32> to vector<512x512xf32>
    %ge3A_533 = vector.broadcast %get3A_490 : vector<1x512xf32> to vector<512x512xf32>
    %ge3A_534 = arith.cmpf oge, %ge3A_532, %ge3A_533 : vector<512x512xf32>
    %jit3A_535 = arith.constant 1 : i32
    %jit3A_536 = arith.constant 0 : i32
    %broadcast_in_dim3A_537 = vector.broadcast %jit3A_535 : i32 to vector<512x512xi32>
    %broadcast_in_dim3A_538 = vector.broadcast %jit3A_536 : i32 to vector<512x512xi32>
    %select_n3A_539 = arith.select %ge3A_534, %broadcast_in_dim3A_537, %broadcast_in_dim3A_538 : vector<512x512xi1>, vector<512x512xi32>
    %reduce_sum3A_540 = arith.constant dense<0> : vector<512xi32>
    %reduce_sum3A_541 = vector.multi_reduction <add>, %select_n3A_539, %reduce_sum3A_540 [0] : vector<512x512xi32> to vector<512xi32>
    %broadcast_in_dim3A_542 = vector.shape_cast %reduce_sum3A_541 : vector<512xi32> to vector<1x512xi32>
    %add3A_543 = arith.addi %add3A_526, %broadcast_in_dim3A_542 : vector<1x512xi32>
    %get3A_544 = arith.constant 0 : index
    %get3A_545 = arith.constant 1536 : index
    %get3A_546 = arith.constant 0 : index
    %get3A_547 = vector.load %arg2[%get3A_544, %get3A_545, %get3A_546] : memref<1x4096x1xf32, #tpu.memory_space<vmem>>, vector<1x512x1xf32>
    %get3A_548 = vector.shape_cast %get3A_547 : vector<1x512x1xf32> to vector<512x1xf32>
    %iota3A_549 = tpu.iota {dimensions = array<i32: 0>} : vector<512x512xi32>
    %iota3A_550 = tpu.iota {dimensions = array<i32: 1>} : vector<512x512xi32>
    %gt3A_551 = vector.broadcast %get3A_548 : vector<512x1xf32> to vector<512x512xf32>
    %gt3A_552 = vector.broadcast %get3A_490 : vector<1x512xf32> to vector<512x512xf32>
    %gt3A_553 = arith.cmpf ogt, %gt3A_551, %gt3A_552 : vector<512x512xf32>
    %eq3A_554 = vector.broadcast %get3A_548 : vector<512x1xf32> to vector<512x512xf32>
    %eq3A_555 = vector.broadcast %get3A_490 : vector<1x512xf32> to vector<512x512xf32>
    %eq3A_556 = arith.cmpf oeq, %eq3A_554, %eq3A_555 : vector<512x512xf32>
    %lt3A_557 = arith.cmpi slt, %iota3A_549, %iota3A_550 : vector<512x512xi32>
    %and3A_558 = arith.andi %eq3A_556, %lt3A_557 : vector<512x512xi1>
    %or3A_559 = arith.ori %gt3A_553, %and3A_558 : vector<512x512xi1>
    %jit3A_560 = arith.constant 1 : i32
    %jit3A_561 = arith.constant 0 : i32
    %broadcast_in_dim3A_562 = vector.broadcast %jit3A_560 : i32 to vector<512x512xi32>
    %broadcast_in_dim3A_563 = vector.broadcast %jit3A_561 : i32 to vector<512x512xi32>
    %select_n3A_564 = arith.select %or3A_559, %broadcast_in_dim3A_562, %broadcast_in_dim3A_563 : vector<512x512xi1>, vector<512x512xi32>
    %reduce_sum3A_565 = arith.constant dense<0> : vector<512xi32>
    %reduce_sum3A_566 = vector.multi_reduction <add>, %select_n3A_564, %reduce_sum3A_565 [0] : vector<512x512xi32> to vector<512xi32>
    %broadcast_in_dim3A_567 = vector.shape_cast %reduce_sum3A_566 : vector<512xi32> to vector<1x512xi32>
    %add3A_568 = arith.addi %add3A_543, %broadcast_in_dim3A_567 : vector<1x512xi32>
    %get3A_569 = arith.constant 0 : index
    %get3A_570 = arith.constant 2048 : index
    %get3A_571 = arith.constant 0 : index
    %get3A_572 = vector.load %arg2[%get3A_569, %get3A_570, %get3A_571] : memref<1x4096x1xf32, #tpu.memory_space<vmem>>, vector<1x512x1xf32>
    %get3A_573 = vector.shape_cast %get3A_572 : vector<1x512x1xf32> to vector<512x1xf32>
    %gt3A_574 = vector.broadcast %get3A_573 : vector<512x1xf32> to vector<512x512xf32>
    %gt3A_575 = vector.broadcast %get3A_490 : vector<1x512xf32> to vector<512x512xf32>
    %gt3A_576 = arith.cmpf ogt, %gt3A_574, %gt3A_575 : vector<512x512xf32>
    %jit3A_577 = arith.constant 1 : i32
    %jit3A_578 = arith.constant 0 : i32
    %broadcast_in_dim3A_579 = vector.broadcast %jit3A_577 : i32 to vector<512x512xi32>
    %broadcast_in_dim3A_580 = vector.broadcast %jit3A_578 : i32 to vector<512x512xi32>
    %select_n3A_581 = arith.select %gt3A_576, %broadcast_in_dim3A_579, %broadcast_in_dim3A_580 : vector<512x512xi1>, vector<512x512xi32>
    %reduce_sum3A_582 = arith.constant dense<0> : vector<512xi32>
    %reduce_sum3A_583 = vector.multi_reduction <add>, %select_n3A_581, %reduce_sum3A_582 [0] : vector<512x512xi32> to vector<512xi32>
    %broadcast_in_dim3A_584 = vector.shape_cast %reduce_sum3A_583 : vector<512xi32> to vector<1x512xi32>
    %add3A_585 = arith.addi %add3A_568, %broadcast_in_dim3A_584 : vector<1x512xi32>
    %get3A_586 = arith.constant 0 : index
    %get3A_587 = arith.constant 2560 : index
    %get3A_588 = arith.constant 0 : index
    %get3A_589 = vector.load %arg2[%get3A_586, %get3A_587, %get3A_588] : memref<1x4096x1xf32, #tpu.memory_space<vmem>>, vector<1x512x1xf32>
    %get3A_590 = vector.shape_cast %get3A_589 : vector<1x512x1xf32> to vector<512x1xf32>
    %gt3A_591 = vector.broadcast %get3A_590 : vector<512x1xf32> to vector<512x512xf32>
    %gt3A_592 = vector.broadcast %get3A_490 : vector<1x512xf32> to vector<512x512xf32>
    %gt3A_593 = arith.cmpf ogt, %gt3A_591, %gt3A_592 : vector<512x512xf32>
    %jit3A_594 = arith.constant 1 : i32
    %jit3A_595 = arith.constant 0 : i32
    %broadcast_in_dim3A_596 = vector.broadcast %jit3A_594 : i32 to vector<512x512xi32>
    %broadcast_in_dim3A_597 = vector.broadcast %jit3A_595 : i32 to vector<512x512xi32>
    %select_n3A_598 = arith.select %gt3A_593, %broadcast_in_dim3A_596, %broadcast_in_dim3A_597 : vector<512x512xi1>, vector<512x512xi32>
    %reduce_sum3A_599 = arith.constant dense<0> : vector<512xi32>
    %reduce_sum3A_600 = vector.multi_reduction <add>, %select_n3A_598, %reduce_sum3A_599 [0] : vector<512x512xi32> to vector<512xi32>
    %broadcast_in_dim3A_601 = vector.shape_cast %reduce_sum3A_600 : vector<512xi32> to vector<1x512xi32>
    %add3A_602 = arith.addi %add3A_585, %broadcast_in_dim3A_601 : vector<1x512xi32>
    %get3A_603 = arith.constant 0 : index
    %get3A_604 = arith.constant 3072 : index
    %get3A_605 = arith.constant 0 : index
    %get3A_606 = vector.load %arg2[%get3A_603, %get3A_604, %get3A_605] : memref<1x4096x1xf32, #tpu.memory_space<vmem>>, vector<1x512x1xf32>
    %get3A_607 = vector.shape_cast %get3A_606 : vector<1x512x1xf32> to vector<512x1xf32>
    %gt3A_608 = vector.broadcast %get3A_607 : vector<512x1xf32> to vector<512x512xf32>
    %gt3A_609 = vector.broadcast %get3A_490 : vector<1x512xf32> to vector<512x512xf32>
    %gt3A_610 = arith.cmpf ogt, %gt3A_608, %gt3A_609 : vector<512x512xf32>
    %jit3A_611 = arith.constant 1 : i32
    %jit3A_612 = arith.constant 0 : i32
    %broadcast_in_dim3A_613 = vector.broadcast %jit3A_611 : i32 to vector<512x512xi32>
    %broadcast_in_dim3A_614 = vector.broadcast %jit3A_612 : i32 to vector<512x512xi32>
    %select_n3A_615 = arith.select %gt3A_610, %broadcast_in_dim3A_613, %broadcast_in_dim3A_614 : vector<512x512xi1>, vector<512x512xi32>
    %reduce_sum3A_616 = arith.constant dense<0> : vector<512xi32>
    %reduce_sum3A_617 = vector.multi_reduction <add>, %select_n3A_615, %reduce_sum3A_616 [0] : vector<512x512xi32> to vector<512xi32>
    %broadcast_in_dim3A_618 = vector.shape_cast %reduce_sum3A_617 : vector<512xi32> to vector<1x512xi32>
    %add3A_619 = arith.addi %add3A_602, %broadcast_in_dim3A_618 : vector<1x512xi32>
    %get3A_620 = arith.constant 0 : index
    %get3A_621 = arith.constant 3584 : index
    %get3A_622 = arith.constant 0 : index
    %get3A_623 = vector.load %arg2[%get3A_620, %get3A_621, %get3A_622] : memref<1x4096x1xf32, #tpu.memory_space<vmem>>, vector<1x512x1xf32>
    %get3A_624 = vector.shape_cast %get3A_623 : vector<1x512x1xf32> to vector<512x1xf32>
    %gt3A_625 = vector.broadcast %get3A_624 : vector<512x1xf32> to vector<512x512xf32>
    %gt3A_626 = vector.broadcast %get3A_490 : vector<1x512xf32> to vector<512x512xf32>
    %gt3A_627 = arith.cmpf ogt, %gt3A_625, %gt3A_626 : vector<512x512xf32>
    %jit3A_628 = arith.constant 1 : i32
    %jit3A_629 = arith.constant 0 : i32
    %broadcast_in_dim3A_630 = vector.broadcast %jit3A_628 : i32 to vector<512x512xi32>
    %broadcast_in_dim3A_631 = vector.broadcast %jit3A_629 : i32 to vector<512x512xi32>
    %select_n3A_632 = arith.select %gt3A_627, %broadcast_in_dim3A_630, %broadcast_in_dim3A_631 : vector<512x512xi1>, vector<512x512xi32>
    %reduce_sum3A_633 = arith.constant dense<0> : vector<512xi32>
    %reduce_sum3A_634 = vector.multi_reduction <add>, %select_n3A_632, %reduce_sum3A_633 [0] : vector<512x512xi32> to vector<512xi32>
    %broadcast_in_dim3A_635 = vector.shape_cast %reduce_sum3A_634 : vector<512xi32> to vector<1x512xi32>
    %add3A_636 = arith.addi %add3A_619, %broadcast_in_dim3A_635 : vector<1x512xi32>
    %lt3A_637 = arith.constant 2048 : i32
    %lt3A_638 = vector.broadcast %lt3A_637 : i32 to vector<1x512xi32>
    %lt3A_639 = arith.cmpi slt, %add3A_636, %lt3A_638 : vector<1x512xi32>
    %mul3A_640 = arith.constant 2048 : i32
    %mul3A_641 = arith.muli %arg0, %mul3A_640 : i32
    %add3A_642 = vector.broadcast %mul3A_641 : i32 to vector<1x512xi32>
    %add3A_643 = arith.addi %add3A_642, %add3A_636 : vector<1x512xi32>
    %jit3A_644 = arith.constant 32768 : i32
    %broadcast_in_dim3A_645 = vector.broadcast %jit3A_644 : i32 to vector<1x512xi32>
    %select_n3A_646 = arith.select %lt3A_639, %add3A_643, %broadcast_in_dim3A_645 : vector<1x512xi1>, vector<1x512xi32>
    %swap3A_647 = arith.constant 0 : index
    %swap3A_648 = arith.constant 0 : index
    %swap3A_649 = arith.constant 1536 : index
    %swap3A_650 = vector.load %arg3[%swap3A_647, %swap3A_648, %swap3A_649] : memref<1x1x4096xi32, #tpu.memory_space<vmem>>, vector<1x1x512xi32>
    %swap3A_651 = vector.shape_cast %swap3A_650 : vector<1x1x512xi32> to vector<1x512xi32>
    %swap3A_652 = vector.shape_cast %select_n3A_646 : vector<1x512xi32> to vector<1x1x512xi32>
    tpu.vector_store %arg3[%swap3A_647, %swap3A_648, %swap3A_649], %swap3A_652 {strides = array<i32>} : memref<1x1x4096xi32, #tpu.memory_space<vmem>>, vector<1x1x512xi32>,
    %get3A_653 = arith.constant 0 : index
    %get3A_654 = arith.constant 0 : index
    %get3A_655 = arith.constant 2048 : index
    %get3A_656 = vector.load %arg1[%get3A_653, %get3A_654, %get3A_655] : memref<1x1x4096xf32, #tpu.memory_space<vmem>>, vector<1x1x512xf32>
    %get3A_657 = vector.shape_cast %get3A_656 : vector<1x1x512xf32> to vector<1x512xf32>
    %broadcast_in_dim3A_658 = arith.constant 0 : i32
    %broadcast_in_dim3A_659 = vector.broadcast %broadcast_in_dim3A_658 : i32 to vector<1x512xi32>
    %get3A_660 = arith.constant 0 : index
    %get3A_661 = arith.constant 0 : index
    %get3A_662 = arith.constant 0 : index
    %get3A_663 = vector.load %arg2[%get3A_660, %get3A_661, %get3A_662] : memref<1x4096x1xf32, #tpu.memory_space<vmem>>, vector<1x512x1xf32>
    %get3A_664 = vector.shape_cast %get3A_663 : vector<1x512x1xf32> to vector<512x1xf32>
    %ge3A_665 = vector.broadcast %get3A_664 : vector<512x1xf32> to vector<512x512xf32>
    %ge3A_666 = vector.broadcast %get3A_657 : vector<1x512xf32> to vector<512x512xf32>
    %ge3A_667 = arith.cmpf oge, %ge3A_665, %ge3A_666 : vector<512x512xf32>
    %jit3A_668 = arith.constant 1 : i32
    %jit3A_669 = arith.constant 0 : i32
    %broadcast_in_dim3A_670 = vector.broadcast %jit3A_668 : i32 to vector<512x512xi32>
    %broadcast_in_dim3A_671 = vector.broadcast %jit3A_669 : i32 to vector<512x512xi32>
    %select_n3A_672 = arith.select %ge3A_667, %broadcast_in_dim3A_670, %broadcast_in_dim3A_671 : vector<512x512xi1>, vector<512x512xi32>
    %reduce_sum3A_673 = arith.constant dense<0> : vector<512xi32>
    %reduce_sum3A_674 = vector.multi_reduction <add>, %select_n3A_672, %reduce_sum3A_673 [0] : vector<512x512xi32> to vector<512xi32>
    %broadcast_in_dim3A_675 = vector.shape_cast %reduce_sum3A_674 : vector<512xi32> to vector<1x512xi32>
    %add3A_676 = arith.addi %broadcast_in_dim3A_659, %broadcast_in_dim3A_675 : vector<1x512xi32>
    %get3A_677 = arith.constant 0 : index
    %get3A_678 = arith.constant 512 : index
    %get3A_679 = arith.constant 0 : index
    %get3A_680 = vector.load %arg2[%get3A_677, %get3A_678, %get3A_679] : memref<1x4096x1xf32, #tpu.memory_space<vmem>>, vector<1x512x1xf32>
    %get3A_681 = vector.shape_cast %get3A_680 : vector<1x512x1xf32> to vector<512x1xf32>
    %ge3A_682 = vector.broadcast %get3A_681 : vector<512x1xf32> to vector<512x512xf32>
    %ge3A_683 = vector.broadcast %get3A_657 : vector<1x512xf32> to vector<512x512xf32>
    %ge3A_684 = arith.cmpf oge, %ge3A_682, %ge3A_683 : vector<512x512xf32>
    %jit3A_685 = arith.constant 1 : i32
    %jit3A_686 = arith.constant 0 : i32
    %broadcast_in_dim3A_687 = vector.broadcast %jit3A_685 : i32 to vector<512x512xi32>
    %broadcast_in_dim3A_688 = vector.broadcast %jit3A_686 : i32 to vector<512x512xi32>
    %select_n3A_689 = arith.select %ge3A_684, %broadcast_in_dim3A_687, %broadcast_in_dim3A_688 : vector<512x512xi1>, vector<512x512xi32>
    %reduce_sum3A_690 = arith.constant dense<0> : vector<512xi32>
    %reduce_sum3A_691 = vector.multi_reduction <add>, %select_n3A_689, %reduce_sum3A_690 [0] : vector<512x512xi32> to vector<512xi32>
    %broadcast_in_dim3A_692 = vector.shape_cast %reduce_sum3A_691 : vector<512xi32> to vector<1x512xi32>
    %add3A_693 = arith.addi %add3A_676, %broadcast_in_dim3A_692 : vector<1x512xi32>
    %get3A_694 = arith.constant 0 : index
    %get3A_695 = arith.constant 1024 : index
    %get3A_696 = arith.constant 0 : index
    %get3A_697 = vector.load %arg2[%get3A_694, %get3A_695, %get3A_696] : memref<1x4096x1xf32, #tpu.memory_space<vmem>>, vector<1x512x1xf32>
    %get3A_698 = vector.shape_cast %get3A_697 : vector<1x512x1xf32> to vector<512x1xf32>
    %ge3A_699 = vector.broadcast %get3A_698 : vector<512x1xf32> to vector<512x512xf32>
    %ge3A_700 = vector.broadcast %get3A_657 : vector<1x512xf32> to vector<512x512xf32>
    %ge3A_701 = arith.cmpf oge, %ge3A_699, %ge3A_700 : vector<512x512xf32>
    %jit3A_702 = arith.constant 1 : i32
    %jit3A_703 = arith.constant 0 : i32
    %broadcast_in_dim3A_704 = vector.broadcast %jit3A_702 : i32 to vector<512x512xi32>
    %broadcast_in_dim3A_705 = vector.broadcast %jit3A_703 : i32 to vector<512x512xi32>
    %select_n3A_706 = arith.select %ge3A_701, %broadcast_in_dim3A_704, %broadcast_in_dim3A_705 : vector<512x512xi1>, vector<512x512xi32>
    %reduce_sum3A_707 = arith.constant dense<0> : vector<512xi32>
    %reduce_sum3A_708 = vector.multi_reduction <add>, %select_n3A_706, %reduce_sum3A_707 [0] : vector<512x512xi32> to vector<512xi32>
    %broadcast_in_dim3A_709 = vector.shape_cast %reduce_sum3A_708 : vector<512xi32> to vector<1x512xi32>
    %add3A_710 = arith.addi %add3A_693, %broadcast_in_dim3A_709 : vector<1x512xi32>
    %get3A_711 = arith.constant 0 : index
    %get3A_712 = arith.constant 1536 : index
    %get3A_713 = arith.constant 0 : index
    %get3A_714 = vector.load %arg2[%get3A_711, %get3A_712, %get3A_713] : memref<1x4096x1xf32, #tpu.memory_space<vmem>>, vector<1x512x1xf32>
    %get3A_715 = vector.shape_cast %get3A_714 : vector<1x512x1xf32> to vector<512x1xf32>
    %ge3A_716 = vector.broadcast %get3A_715 : vector<512x1xf32> to vector<512x512xf32>
    %ge3A_717 = vector.broadcast %get3A_657 : vector<1x512xf32> to vector<512x512xf32>
    %ge3A_718 = arith.cmpf oge, %ge3A_716, %ge3A_717 : vector<512x512xf32>
    %jit3A_719 = arith.constant 1 : i32
    %jit3A_720 = arith.constant 0 : i32
    %broadcast_in_dim3A_721 = vector.broadcast %jit3A_719 : i32 to vector<512x512xi32>
    %broadcast_in_dim3A_722 = vector.broadcast %jit3A_720 : i32 to vector<512x512xi32>
    %select_n3A_723 = arith.select %ge3A_718, %broadcast_in_dim3A_721, %broadcast_in_dim3A_722 : vector<512x512xi1>, vector<512x512xi32>
    %reduce_sum3A_724 = arith.constant dense<0> : vector<512xi32>
    %reduce_sum3A_725 = vector.multi_reduction <add>, %select_n3A_723, %reduce_sum3A_724 [0] : vector<512x512xi32> to vector<512xi32>
    %broadcast_in_dim3A_726 = vector.shape_cast %reduce_sum3A_725 : vector<512xi32> to vector<1x512xi32>
    %add3A_727 = arith.addi %add3A_710, %broadcast_in_dim3A_726 : vector<1x512xi32>
    %get3A_728 = arith.constant 0 : index
    %get3A_729 = arith.constant 2048 : index
    %get3A_730 = arith.constant 0 : index
    %get3A_731 = vector.load %arg2[%get3A_728, %get3A_729, %get3A_730] : memref<1x4096x1xf32, #tpu.memory_space<vmem>>, vector<1x512x1xf32>
    %get3A_732 = vector.shape_cast %get3A_731 : vector<1x512x1xf32> to vector<512x1xf32>
    %iota3A_733 = tpu.iota {dimensions = array<i32: 0>} : vector<512x512xi32>
    %iota3A_734 = tpu.iota {dimensions = array<i32: 1>} : vector<512x512xi32>
    %gt3A_735 = vector.broadcast %get3A_732 : vector<512x1xf32> to vector<512x512xf32>
    %gt3A_736 = vector.broadcast %get3A_657 : vector<1x512xf32> to vector<512x512xf32>
    %gt3A_737 = arith.cmpf ogt, %gt3A_735, %gt3A_736 : vector<512x512xf32>
    %eq3A_738 = vector.broadcast %get3A_732 : vector<512x1xf32> to vector<512x512xf32>
    %eq3A_739 = vector.broadcast %get3A_657 : vector<1x512xf32> to vector<512x512xf32>
    %eq3A_740 = arith.cmpf oeq, %eq3A_738, %eq3A_739 : vector<512x512xf32>
    %lt3A_741 = arith.cmpi slt, %iota3A_733, %iota3A_734 : vector<512x512xi32>
    %and3A_742 = arith.andi %eq3A_740, %lt3A_741 : vector<512x512xi1>
    %or3A_743 = arith.ori %gt3A_737, %and3A_742 : vector<512x512xi1>
    %jit3A_744 = arith.constant 1 : i32
    %jit3A_745 = arith.constant 0 : i32
    %broadcast_in_dim3A_746 = vector.broadcast %jit3A_744 : i32 to vector<512x512xi32>
    %broadcast_in_dim3A_747 = vector.broadcast %jit3A_745 : i32 to vector<512x512xi32>
    %select_n3A_748 = arith.select %or3A_743, %broadcast_in_dim3A_746, %broadcast_in_dim3A_747 : vector<512x512xi1>, vector<512x512xi32>
    %reduce_sum3A_749 = arith.constant dense<0> : vector<512xi32>
    %reduce_sum3A_750 = vector.multi_reduction <add>, %select_n3A_748, %reduce_sum3A_749 [0] : vector<512x512xi32> to vector<512xi32>
    %broadcast_in_dim3A_751 = vector.shape_cast %reduce_sum3A_750 : vector<512xi32> to vector<1x512xi32>
    %add3A_752 = arith.addi %add3A_727, %broadcast_in_dim3A_751 : vector<1x512xi32>
    %get3A_753 = arith.constant 0 : index
    %get3A_754 = arith.constant 2560 : index
    %get3A_755 = arith.constant 0 : index
    %get3A_756 = vector.load %arg2[%get3A_753, %get3A_754, %get3A_755] : memref<1x4096x1xf32, #tpu.memory_space<vmem>>, vector<1x512x1xf32>
    %get3A_757 = vector.shape_cast %get3A_756 : vector<1x512x1xf32> to vector<512x1xf32>
    %gt3A_758 = vector.broadcast %get3A_757 : vector<512x1xf32> to vector<512x512xf32>
    %gt3A_759 = vector.broadcast %get3A_657 : vector<1x512xf32> to vector<512x512xf32>
    %gt3A_760 = arith.cmpf ogt, %gt3A_758, %gt3A_759 : vector<512x512xf32>
    %jit3A_761 = arith.constant 1 : i32
    %jit3A_762 = arith.constant 0 : i32
    %broadcast_in_dim3A_763 = vector.broadcast %jit3A_761 : i32 to vector<512x512xi32>
    %broadcast_in_dim3A_764 = vector.broadcast %jit3A_762 : i32 to vector<512x512xi32>
    %select_n3A_765 = arith.select %gt3A_760, %broadcast_in_dim3A_763, %broadcast_in_dim3A_764 : vector<512x512xi1>, vector<512x512xi32>
    %reduce_sum3A_766 = arith.constant dense<0> : vector<512xi32>
    %reduce_sum3A_767 = vector.multi_reduction <add>, %select_n3A_765, %reduce_sum3A_766 [0] : vector<512x512xi32> to vector<512xi32>
    %broadcast_in_dim3A_768 = vector.shape_cast %reduce_sum3A_767 : vector<512xi32> to vector<1x512xi32>
    %add3A_769 = arith.addi %add3A_752, %broadcast_in_dim3A_768 : vector<1x512xi32>
    %get3A_770 = arith.constant 0 : index
    %get3A_771 = arith.constant 3072 : index
    %get3A_772 = arith.constant 0 : index
    %get3A_773 = vector.load %arg2[%get3A_770, %get3A_771, %get3A_772] : memref<1x4096x1xf32, #tpu.memory_space<vmem>>, vector<1x512x1xf32>
    %get3A_774 = vector.shape_cast %get3A_773 : vector<1x512x1xf32> to vector<512x1xf32>
    %gt3A_775 = vector.broadcast %get3A_774 : vector<512x1xf32> to vector<512x512xf32>
    %gt3A_776 = vector.broadcast %get3A_657 : vector<1x512xf32> to vector<512x512xf32>
    %gt3A_777 = arith.cmpf ogt, %gt3A_775, %gt3A_776 : vector<512x512xf32>
    %jit3A_778 = arith.constant 1 : i32
    %jit3A_779 = arith.constant 0 : i32
    %broadcast_in_dim3A_780 = vector.broadcast %jit3A_778 : i32 to vector<512x512xi32>
    %broadcast_in_dim3A_781 = vector.broadcast %jit3A_779 : i32 to vector<512x512xi32>
    %select_n3A_782 = arith.select %gt3A_777, %broadcast_in_dim3A_780, %broadcast_in_dim3A_781 : vector<512x512xi1>, vector<512x512xi32>
    %reduce_sum3A_783 = arith.constant dense<0> : vector<512xi32>
    %reduce_sum3A_784 = vector.multi_reduction <add>, %select_n3A_782, %reduce_sum3A_783 [0] : vector<512x512xi32> to vector<512xi32>
    %broadcast_in_dim3A_785 = vector.shape_cast %reduce_sum3A_784 : vector<512xi32> to vector<1x512xi32>
    %add3A_786 = arith.addi %add3A_769, %broadcast_in_dim3A_785 : vector<1x512xi32>
    %get3A_787 = arith.constant 0 : index
    %get3A_788 = arith.constant 3584 : index
    %get3A_789 = arith.constant 0 : index
    %get3A_790 = vector.load %arg2[%get3A_787, %get3A_788, %get3A_789] : memref<1x4096x1xf32, #tpu.memory_space<vmem>>, vector<1x512x1xf32>
    %get3A_791 = vector.shape_cast %get3A_790 : vector<1x512x1xf32> to vector<512x1xf32>
    %gt3A_792 = vector.broadcast %get3A_791 : vector<512x1xf32> to vector<512x512xf32>
    %gt3A_793 = vector.broadcast %get3A_657 : vector<1x512xf32> to vector<512x512xf32>
    %gt3A_794 = arith.cmpf ogt, %gt3A_792, %gt3A_793 : vector<512x512xf32>
    %jit3A_795 = arith.constant 1 : i32
    %jit3A_796 = arith.constant 0 : i32
    %broadcast_in_dim3A_797 = vector.broadcast %jit3A_795 : i32 to vector<512x512xi32>
    %broadcast_in_dim3A_798 = vector.broadcast %jit3A_796 : i32 to vector<512x512xi32>
    %select_n3A_799 = arith.select %gt3A_794, %broadcast_in_dim3A_797, %broadcast_in_dim3A_798 : vector<512x512xi1>, vector<512x512xi32>
    %reduce_sum3A_800 = arith.constant dense<0> : vector<512xi32>
    %reduce_sum3A_801 = vector.multi_reduction <add>, %select_n3A_799, %reduce_sum3A_800 [0] : vector<512x512xi32> to vector<512xi32>
    %broadcast_in_dim3A_802 = vector.shape_cast %reduce_sum3A_801 : vector<512xi32> to vector<1x512xi32>
    %add3A_803 = arith.addi %add3A_786, %broadcast_in_dim3A_802 : vector<1x512xi32>
    %lt3A_804 = arith.constant 2048 : i32
    %lt3A_805 = vector.broadcast %lt3A_804 : i32 to vector<1x512xi32>
    %lt3A_806 = arith.cmpi slt, %add3A_803, %lt3A_805 : vector<1x512xi32>
    %mul3A_807 = arith.constant 2048 : i32
    %mul3A_808 = arith.muli %arg0, %mul3A_807 : i32
    %add3A_809 = vector.broadcast %mul3A_808 : i32 to vector<1x512xi32>
    %add3A_810 = arith.addi %add3A_809, %add3A_803 : vector<1x512xi32>
    %jit3A_811 = arith.constant 32768 : i32
    %broadcast_in_dim3A_812 = vector.broadcast %jit3A_811 : i32 to vector<1x512xi32>
    %select_n3A_813 = arith.select %lt3A_806, %add3A_810, %broadcast_in_dim3A_812 : vector<1x512xi1>, vector<1x512xi32>
    %swap3A_814 = arith.constant 0 : index
    %swap3A_815 = arith.constant 0 : index
    %swap3A_816 = arith.constant 2048 : index
    %swap3A_817 = vector.load %arg3[%swap3A_814, %swap3A_815, %swap3A_816] : memref<1x1x4096xi32, #tpu.memory_space<vmem>>, vector<1x1x512xi32>
    %swap3A_818 = vector.shape_cast %swap3A_817 : vector<1x1x512xi32> to vector<1x512xi32>
    %swap3A_819 = vector.shape_cast %select_n3A_813 : vector<1x512xi32> to vector<1x1x512xi32>
    tpu.vector_store %arg3[%swap3A_814, %swap3A_815, %swap3A_816], %swap3A_819 {strides = array<i32>} : memref<1x1x4096xi32, #tpu.memory_space<vmem>>, vector<1x1x512xi32>,
    %get3A_820 = arith.constant 0 : index
    %get3A_821 = arith.constant 0 : index
    %get3A_822 = arith.constant 2560 : index
    %get3A_823 = vector.load %arg1[%get3A_820, %get3A_821, %get3A_822] : memref<1x1x4096xf32, #tpu.memory_space<vmem>>, vector<1x1x512xf32>
    %get3A_824 = vector.shape_cast %get3A_823 : vector<1x1x512xf32> to vector<1x512xf32>
    %broadcast_in_dim3A_825 = arith.constant 0 : i32
    %broadcast_in_dim3A_826 = vector.broadcast %broadcast_in_dim3A_825 : i32 to vector<1x512xi32>
    %get3A_827 = arith.constant 0 : index
    %get3A_828 = arith.constant 0 : index
    %get3A_829 = arith.constant 0 : index
    %get3A_830 = vector.load %arg2[%get3A_827, %get3A_828, %get3A_829] : memref<1x4096x1xf32, #tpu.memory_space<vmem>>, vector<1x512x1xf32>
    %get3A_831 = vector.shape_cast %get3A_830 : vector<1x512x1xf32> to vector<512x1xf32>
    %ge3A_832 = vector.broadcast %get3A_831 : vector<512x1xf32> to vector<512x512xf32>
    %ge3A_833 = vector.broadcast %get3A_824 : vector<1x512xf32> to vector<512x512xf32>
    %ge3A_834 = arith.cmpf oge, %ge3A_832, %ge3A_833 : vector<512x512xf32>
    %jit3A_835 = arith.constant 1 : i32
    %jit3A_836 = arith.constant 0 : i32
    %broadcast_in_dim3A_837 = vector.broadcast %jit3A_835 : i32 to vector<512x512xi32>
    %broadcast_in_dim3A_838 = vector.broadcast %jit3A_836 : i32 to vector<512x512xi32>
    %select_n3A_839 = arith.select %ge3A_834, %broadcast_in_dim3A_837, %broadcast_in_dim3A_838 : vector<512x512xi1>, vector<512x512xi32>
    %reduce_sum3A_840 = arith.constant dense<0> : vector<512xi32>
    %reduce_sum3A_841 = vector.multi_reduction <add>, %select_n3A_839, %reduce_sum3A_840 [0] : vector<512x512xi32> to vector<512xi32>
    %broadcast_in_dim3A_842 = vector.shape_cast %reduce_sum3A_841 : vector<512xi32> to vector<1x512xi32>
    %add3A_843 = arith.addi %broadcast_in_dim3A_826, %broadcast_in_dim3A_842 : vector<1x512xi32>
    %get3A_844 = arith.constant 0 : index
    %get3A_845 = arith.constant 512 : index
    %get3A_846 = arith.constant 0 : index
    %get3A_847 = vector.load %arg2[%get3A_844, %get3A_845, %get3A_846] : memref<1x4096x1xf32, #tpu.memory_space<vmem>>, vector<1x512x1xf32>
    %get3A_848 = vector.shape_cast %get3A_847 : vector<1x512x1xf32> to vector<512x1xf32>
    %ge3A_849 = vector.broadcast %get3A_848 : vector<512x1xf32> to vector<512x512xf32>
    %ge3A_850 = vector.broadcast %get3A_824 : vector<1x512xf32> to vector<512x512xf32>
    %ge3A_851 = arith.cmpf oge, %ge3A_849, %ge3A_850 : vector<512x512xf32>
    %jit3A_852 = arith.constant 1 : i32
    %jit3A_853 = arith.constant 0 : i32
    %broadcast_in_dim3A_854 = vector.broadcast %jit3A_852 : i32 to vector<512x512xi32>
    %broadcast_in_dim3A_855 = vector.broadcast %jit3A_853 : i32 to vector<512x512xi32>
    %select_n3A_856 = arith.select %ge3A_851, %broadcast_in_dim3A_854, %broadcast_in_dim3A_855 : vector<512x512xi1>, vector<512x512xi32>
    %reduce_sum3A_857 = arith.constant dense<0> : vector<512xi32>
    %reduce_sum3A_858 = vector.multi_reduction <add>, %select_n3A_856, %reduce_sum3A_857 [0] : vector<512x512xi32> to vector<512xi32>
    %broadcast_in_dim3A_859 = vector.shape_cast %reduce_sum3A_858 : vector<512xi32> to vector<1x512xi32>
    %add3A_860 = arith.addi %add3A_843, %broadcast_in_dim3A_859 : vector<1x512xi32>
    %get3A_861 = arith.constant 0 : index
    %get3A_862 = arith.constant 1024 : index
    %get3A_863 = arith.constant 0 : index
    %get3A_864 = vector.load %arg2[%get3A_861, %get3A_862, %get3A_863] : memref<1x4096x1xf32, #tpu.memory_space<vmem>>, vector<1x512x1xf32>
    %get3A_865 = vector.shape_cast %get3A_864 : vector<1x512x1xf32> to vector<512x1xf32>
    %ge3A_866 = vector.broadcast %get3A_865 : vector<512x1xf32> to vector<512x512xf32>
    %ge3A_867 = vector.broadcast %get3A_824 : vector<1x512xf32> to vector<512x512xf32>
    %ge3A_868 = arith.cmpf oge, %ge3A_866, %ge3A_867 : vector<512x512xf32>
    %jit3A_869 = arith.constant 1 : i32
    %jit3A_870 = arith.constant 0 : i32
    %broadcast_in_dim3A_871 = vector.broadcast %jit3A_869 : i32 to vector<512x512xi32>
    %broadcast_in_dim3A_872 = vector.broadcast %jit3A_870 : i32 to vector<512x512xi32>
    %select_n3A_873 = arith.select %ge3A_868, %broadcast_in_dim3A_871, %broadcast_in_dim3A_872 : vector<512x512xi1>, vector<512x512xi32>
    %reduce_sum3A_874 = arith.constant dense<0> : vector<512xi32>
    %reduce_sum3A_875 = vector.multi_reduction <add>, %select_n3A_873, %reduce_sum3A_874 [0] : vector<512x512xi32> to vector<512xi32>
    %broadcast_in_dim3A_876 = vector.shape_cast %reduce_sum3A_875 : vector<512xi32> to vector<1x512xi32>
    %add3A_877 = arith.addi %add3A_860, %broadcast_in_dim3A_876 : vector<1x512xi32>
    %get3A_878 = arith.constant 0 : index
    %get3A_879 = arith.constant 1536 : index
    %get3A_880 = arith.constant 0 : index
    %get3A_881 = vector.load %arg2[%get3A_878, %get3A_879, %get3A_880] : memref<1x4096x1xf32, #tpu.memory_space<vmem>>, vector<1x512x1xf32>
    %get3A_882 = vector.shape_cast %get3A_881 : vector<1x512x1xf32> to vector<512x1xf32>
    %ge3A_883 = vector.broadcast %get3A_882 : vector<512x1xf32> to vector<512x512xf32>
    %ge3A_884 = vector.broadcast %get3A_824 : vector<1x512xf32> to vector<512x512xf32>
    %ge3A_885 = arith.cmpf oge, %ge3A_883, %ge3A_884 : vector<512x512xf32>
    %jit3A_886 = arith.constant 1 : i32
    %jit3A_887 = arith.constant 0 : i32
    %broadcast_in_dim3A_888 = vector.broadcast %jit3A_886 : i32 to vector<512x512xi32>
    %broadcast_in_dim3A_889 = vector.broadcast %jit3A_887 : i32 to vector<512x512xi32>
    %select_n3A_890 = arith.select %ge3A_885, %broadcast_in_dim3A_888, %broadcast_in_dim3A_889 : vector<512x512xi1>, vector<512x512xi32>
    %reduce_sum3A_891 = arith.constant dense<0> : vector<512xi32>
    %reduce_sum3A_892 = vector.multi_reduction <add>, %select_n3A_890, %reduce_sum3A_891 [0] : vector<512x512xi32> to vector<512xi32>
    %broadcast_in_dim3A_893 = vector.shape_cast %reduce_sum3A_892 : vector<512xi32> to vector<1x512xi32>
    %add3A_894 = arith.addi %add3A_877, %broadcast_in_dim3A_893 : vector<1x512xi32>
    %get3A_895 = arith.constant 0 : index
    %get3A_896 = arith.constant 2048 : index
    %get3A_897 = arith.constant 0 : index
    %get3A_898 = vector.load %arg2[%get3A_895, %get3A_896, %get3A_897] : memref<1x4096x1xf32, #tpu.memory_space<vmem>>, vector<1x512x1xf32>
    %get3A_899 = vector.shape_cast %get3A_898 : vector<1x512x1xf32> to vector<512x1xf32>
    %ge3A_900 = vector.broadcast %get3A_899 : vector<512x1xf32> to vector<512x512xf32>
    %ge3A_901 = vector.broadcast %get3A_824 : vector<1x512xf32> to vector<512x512xf32>
    %ge3A_902 = arith.cmpf oge, %ge3A_900, %ge3A_901 : vector<512x512xf32>
    %jit3A_903 = arith.constant 1 : i32
    %jit3A_904 = arith.constant 0 : i32
    %broadcast_in_dim3A_905 = vector.broadcast %jit3A_903 : i32 to vector<512x512xi32>
    %broadcast_in_dim3A_906 = vector.broadcast %jit3A_904 : i32 to vector<512x512xi32>
    %select_n3A_907 = arith.select %ge3A_902, %broadcast_in_dim3A_905, %broadcast_in_dim3A_906 : vector<512x512xi1>, vector<512x512xi32>
    %reduce_sum3A_908 = arith.constant dense<0> : vector<512xi32>
    %reduce_sum3A_909 = vector.multi_reduction <add>, %select_n3A_907, %reduce_sum3A_908 [0] : vector<512x512xi32> to vector<512xi32>
    %broadcast_in_dim3A_910 = vector.shape_cast %reduce_sum3A_909 : vector<512xi32> to vector<1x512xi32>
    %add3A_911 = arith.addi %add3A_894, %broadcast_in_dim3A_910 : vector<1x512xi32>
    %get3A_912 = arith.constant 0 : index
    %get3A_913 = arith.constant 2560 : index
    %get3A_914 = arith.constant 0 : index
    %get3A_915 = vector.load %arg2[%get3A_912, %get3A_913, %get3A_914] : memref<1x4096x1xf32, #tpu.memory_space<vmem>>, vector<1x512x1xf32>
    %get3A_916 = vector.shape_cast %get3A_915 : vector<1x512x1xf32> to vector<512x1xf32>
    %iota3A_917 = tpu.iota {dimensions = array<i32: 0>} : vector<512x512xi32>
    %iota3A_918 = tpu.iota {dimensions = array<i32: 1>} : vector<512x512xi32>
    %gt3A_919 = vector.broadcast %get3A_916 : vector<512x1xf32> to vector<512x512xf32>
    %gt3A_920 = vector.broadcast %get3A_824 : vector<1x512xf32> to vector<512x512xf32>
    %gt3A_921 = arith.cmpf ogt, %gt3A_919, %gt3A_920 : vector<512x512xf32>
    %eq3A_922 = vector.broadcast %get3A_916 : vector<512x1xf32> to vector<512x512xf32>
    %eq3A_923 = vector.broadcast %get3A_824 : vector<1x512xf32> to vector<512x512xf32>
    %eq3A_924 = arith.cmpf oeq, %eq3A_922, %eq3A_923 : vector<512x512xf32>
    %lt3A_925 = arith.cmpi slt, %iota3A_917, %iota3A_918 : vector<512x512xi32>
    %and3A_926 = arith.andi %eq3A_924, %lt3A_925 : vector<512x512xi1>
    %or3A_927 = arith.ori %gt3A_921, %and3A_926 : vector<512x512xi1>
    %jit3A_928 = arith.constant 1 : i32
    %jit3A_929 = arith.constant 0 : i32
    %broadcast_in_dim3A_930 = vector.broadcast %jit3A_928 : i32 to vector<512x512xi32>
    %broadcast_in_dim3A_931 = vector.broadcast %jit3A_929 : i32 to vector<512x512xi32>
    %select_n3A_932 = arith.select %or3A_927, %broadcast_in_dim3A_930, %broadcast_in_dim3A_931 : vector<512x512xi1>, vector<512x512xi32>
    %reduce_sum3A_933 = arith.constant dense<0> : vector<512xi32>
    %reduce_sum3A_934 = vector.multi_reduction <add>, %select_n3A_932, %reduce_sum3A_933 [0] : vector<512x512xi32> to vector<512xi32>
    %broadcast_in_dim3A_935 = vector.shape_cast %reduce_sum3A_934 : vector<512xi32> to vector<1x512xi32>
    %add3A_936 = arith.addi %add3A_911, %broadcast_in_dim3A_935 : vector<1x512xi32>
    %get3A_937 = arith.constant 0 : index
    %get3A_938 = arith.constant 3072 : index
    %get3A_939 = arith.constant 0 : index
    %get3A_940 = vector.load %arg2[%get3A_937, %get3A_938, %get3A_939] : memref<1x4096x1xf32, #tpu.memory_space<vmem>>, vector<1x512x1xf32>
    %get3A_941 = vector.shape_cast %get3A_940 : vector<1x512x1xf32> to vector<512x1xf32>
    %gt3A_942 = vector.broadcast %get3A_941 : vector<512x1xf32> to vector<512x512xf32>
    %gt3A_943 = vector.broadcast %get3A_824 : vector<1x512xf32> to vector<512x512xf32>
    %gt3A_944 = arith.cmpf ogt, %gt3A_942, %gt3A_943 : vector<512x512xf32>
    %jit3A_945 = arith.constant 1 : i32
    %jit3A_946 = arith.constant 0 : i32
    %broadcast_in_dim3A_947 = vector.broadcast %jit3A_945 : i32 to vector<512x512xi32>
    %broadcast_in_dim3A_948 = vector.broadcast %jit3A_946 : i32 to vector<512x512xi32>
    %select_n3A_949 = arith.select %gt3A_944, %broadcast_in_dim3A_947, %broadcast_in_dim3A_948 : vector<512x512xi1>, vector<512x512xi32>
    %reduce_sum3A_950 = arith.constant dense<0> : vector<512xi32>
    %reduce_sum3A_951 = vector.multi_reduction <add>, %select_n3A_949, %reduce_sum3A_950 [0] : vector<512x512xi32> to vector<512xi32>
    %broadcast_in_dim3A_952 = vector.shape_cast %reduce_sum3A_951 : vector<512xi32> to vector<1x512xi32>
    %add3A_953 = arith.addi %add3A_936, %broadcast_in_dim3A_952 : vector<1x512xi32>
    %get3A_954 = arith.constant 0 : index
    %get3A_955 = arith.constant 3584 : index
    %get3A_956 = arith.constant 0 : index
    %get3A_957 = vector.load %arg2[%get3A_954, %get3A_955, %get3A_956] : memref<1x4096x1xf32, #tpu.memory_space<vmem>>, vector<1x512x1xf32>
    %get3A_958 = vector.shape_cast %get3A_957 : vector<1x512x1xf32> to vector<512x1xf32>
    %gt3A_959 = vector.broadcast %get3A_958 : vector<512x1xf32> to vector<512x512xf32>
    %gt3A_960 = vector.broadcast %get3A_824 : vector<1x512xf32> to vector<512x512xf32>
    %gt3A_961 = arith.cmpf ogt, %gt3A_959, %gt3A_960 : vector<512x512xf32>
    %jit3A_962 = arith.constant 1 : i32
    %jit3A_963 = arith.constant 0 : i32
    %broadcast_in_dim3A_964 = vector.broadcast %jit3A_962 : i32 to vector<512x512xi32>
    %broadcast_in_dim3A_965 = vector.broadcast %jit3A_963 : i32 to vector<512x512xi32>
    %select_n3A_966 = arith.select %gt3A_961, %broadcast_in_dim3A_964, %broadcast_in_dim3A_965 : vector<512x512xi1>, vector<512x512xi32>
    %reduce_sum3A_967 = arith.constant dense<0> : vector<512xi32>
    %reduce_sum3A_968 = vector.multi_reduction <add>, %select_n3A_966, %reduce_sum3A_967 [0] : vector<512x512xi32> to vector<512xi32>
    %broadcast_in_dim3A_969 = vector.shape_cast %reduce_sum3A_968 : vector<512xi32> to vector<1x512xi32>
    %add3A_970 = arith.addi %add3A_953, %broadcast_in_dim3A_969 : vector<1x512xi32>
    %lt3A_971 = arith.constant 2048 : i32
    %lt3A_972 = vector.broadcast %lt3A_971 : i32 to vector<1x512xi32>
    %lt3A_973 = arith.cmpi slt, %add3A_970, %lt3A_972 : vector<1x512xi32>
    %mul3A_974 = arith.constant 2048 : i32
    %mul3A_975 = arith.muli %arg0, %mul3A_974 : i32
    %add3A_976 = vector.broadcast %mul3A_975 : i32 to vector<1x512xi32>
    %add3A_977 = arith.addi %add3A_976, %add3A_970 : vector<1x512xi32>
    %jit3A_978 = arith.constant 32768 : i32
    %broadcast_in_dim3A_979 = vector.broadcast %jit3A_978 : i32 to vector<1x512xi32>
    %select_n3A_980 = arith.select %lt3A_973, %add3A_977, %broadcast_in_dim3A_979 : vector<1x512xi1>, vector<1x512xi32>
    %swap3A_981 = arith.constant 0 : index
    %swap3A_982 = arith.constant 0 : index
    %swap3A_983 = arith.constant 2560 : index
    %swap3A_984 = vector.load %arg3[%swap3A_981, %swap3A_982, %swap3A_983] : memref<1x1x4096xi32, #tpu.memory_space<vmem>>, vector<1x1x512xi32>
    %swap3A_985 = vector.shape_cast %swap3A_984 : vector<1x1x512xi32> to vector<1x512xi32>
    %swap3A_986 = vector.shape_cast %select_n3A_980 : vector<1x512xi32> to vector<1x1x512xi32>
    tpu.vector_store %arg3[%swap3A_981, %swap3A_982, %swap3A_983], %swap3A_986 {strides = array<i32>} : memref<1x1x4096xi32, #tpu.memory_space<vmem>>, vector<1x1x512xi32>,
    %get3A_987 = arith.constant 0 : index
    %get3A_988 = arith.constant 0 : index
    %get3A_989 = arith.constant 3072 : index
    %get3A_990 = vector.load %arg1[%get3A_987, %get3A_988, %get3A_989] : memref<1x1x4096xf32, #tpu.memory_space<vmem>>, vector<1x1x512xf32>
    %get3A_991 = vector.shape_cast %get3A_990 : vector<1x1x512xf32> to vector<1x512xf32>
    %broadcast_in_dim3A_992 = arith.constant 0 : i32
    %broadcast_in_dim3A_993 = vector.broadcast %broadcast_in_dim3A_992 : i32 to vector<1x512xi32>
    %get3A_994 = arith.constant 0 : index
    %get3A_995 = arith.constant 0 : index
    %get3A_996 = arith.constant 0 : index
    %get3A_997 = vector.load %arg2[%get3A_994, %get3A_995, %get3A_996] : memref<1x4096x1xf32, #tpu.memory_space<vmem>>, vector<1x512x1xf32>
    %get3A_998 = vector.shape_cast %get3A_997 : vector<1x512x1xf32> to vector<512x1xf32>
    %ge3A_999 = vector.broadcast %get3A_998 : vector<512x1xf32> to vector<512x512xf32>
    %ge3A_1000 = vector.broadcast %get3A_991 : vector<1x512xf32> to vector<512x512xf32>
    %ge3A_1001 = arith.cmpf oge, %ge3A_999, %ge3A_1000 : vector<512x512xf32>
    %jit3A_1002 = arith.constant 1 : i32
    %jit3A_1003 = arith.constant 0 : i32
    %broadcast_in_dim3A_1004 = vector.broadcast %jit3A_1002 : i32 to vector<512x512xi32>
    %broadcast_in_dim3A_1005 = vector.broadcast %jit3A_1003 : i32 to vector<512x512xi32>
    %select_n3A_1006 = arith.select %ge3A_1001, %broadcast_in_dim3A_1004, %broadcast_in_dim3A_1005 : vector<512x512xi1>, vector<512x512xi32>
    %reduce_sum3A_1007 = arith.constant dense<0> : vector<512xi32>
    %reduce_sum3A_1008 = vector.multi_reduction <add>, %select_n3A_1006, %reduce_sum3A_1007 [0] : vector<512x512xi32> to vector<512xi32>
    %broadcast_in_dim3A_1009 = vector.shape_cast %reduce_sum3A_1008 : vector<512xi32> to vector<1x512xi32>
    %add3A_1010 = arith.addi %broadcast_in_dim3A_993, %broadcast_in_dim3A_1009 : vector<1x512xi32>
    %get3A_1011 = arith.constant 0 : index
    %get3A_1012 = arith.constant 512 : index
    %get3A_1013 = arith.constant 0 : index
    %get3A_1014 = vector.load %arg2[%get3A_1011, %get3A_1012, %get3A_1013] : memref<1x4096x1xf32, #tpu.memory_space<vmem>>, vector<1x512x1xf32>
    %get3A_1015 = vector.shape_cast %get3A_1014 : vector<1x512x1xf32> to vector<512x1xf32>
    %ge3A_1016 = vector.broadcast %get3A_1015 : vector<512x1xf32> to vector<512x512xf32>
    %ge3A_1017 = vector.broadcast %get3A_991 : vector<1x512xf32> to vector<512x512xf32>
    %ge3A_1018 = arith.cmpf oge, %ge3A_1016, %ge3A_1017 : vector<512x512xf32>
    %jit3A_1019 = arith.constant 1 : i32
    %jit3A_1020 = arith.constant 0 : i32
    %broadcast_in_dim3A_1021 = vector.broadcast %jit3A_1019 : i32 to vector<512x512xi32>
    %broadcast_in_dim3A_1022 = vector.broadcast %jit3A_1020 : i32 to vector<512x512xi32>
    %select_n3A_1023 = arith.select %ge3A_1018, %broadcast_in_dim3A_1021, %broadcast_in_dim3A_1022 : vector<512x512xi1>, vector<512x512xi32>
    %reduce_sum3A_1024 = arith.constant dense<0> : vector<512xi32>
    %reduce_sum3A_1025 = vector.multi_reduction <add>, %select_n3A_1023, %reduce_sum3A_1024 [0] : vector<512x512xi32> to vector<512xi32>
    %broadcast_in_dim3A_1026 = vector.shape_cast %reduce_sum3A_1025 : vector<512xi32> to vector<1x512xi32>
    %add3A_1027 = arith.addi %add3A_1010, %broadcast_in_dim3A_1026 : vector<1x512xi32>
    %get3A_1028 = arith.constant 0 : index
    %get3A_1029 = arith.constant 1024 : index
    %get3A_1030 = arith.constant 0 : index
    %get3A_1031 = vector.load %arg2[%get3A_1028, %get3A_1029, %get3A_1030] : memref<1x4096x1xf32, #tpu.memory_space<vmem>>, vector<1x512x1xf32>
    %get3A_1032 = vector.shape_cast %get3A_1031 : vector<1x512x1xf32> to vector<512x1xf32>
    %ge3A_1033 = vector.broadcast %get3A_1032 : vector<512x1xf32> to vector<512x512xf32>
    %ge3A_1034 = vector.broadcast %get3A_991 : vector<1x512xf32> to vector<512x512xf32>
    %ge3A_1035 = arith.cmpf oge, %ge3A_1033, %ge3A_1034 : vector<512x512xf32>
    %jit3A_1036 = arith.constant 1 : i32
    %jit3A_1037 = arith.constant 0 : i32
    %broadcast_in_dim3A_1038 = vector.broadcast %jit3A_1036 : i32 to vector<512x512xi32>
    %broadcast_in_dim3A_1039 = vector.broadcast %jit3A_1037 : i32 to vector<512x512xi32>
    %select_n3A_1040 = arith.select %ge3A_1035, %broadcast_in_dim3A_1038, %broadcast_in_dim3A_1039 : vector<512x512xi1>, vector<512x512xi32>
    %reduce_sum3A_1041 = arith.constant dense<0> : vector<512xi32>
    %reduce_sum3A_1042 = vector.multi_reduction <add>, %select_n3A_1040, %reduce_sum3A_1041 [0] : vector<512x512xi32> to vector<512xi32>
    %broadcast_in_dim3A_1043 = vector.shape_cast %reduce_sum3A_1042 : vector<512xi32> to vector<1x512xi32>
    %add3A_1044 = arith.addi %add3A_1027, %broadcast_in_dim3A_1043 : vector<1x512xi32>
    %get3A_1045 = arith.constant 0 : index
    %get3A_1046 = arith.constant 1536 : index
    %get3A_1047 = arith.constant 0 : index
    %get3A_1048 = vector.load %arg2[%get3A_1045, %get3A_1046, %get3A_1047] : memref<1x4096x1xf32, #tpu.memory_space<vmem>>, vector<1x512x1xf32>
    %get3A_1049 = vector.shape_cast %get3A_1048 : vector<1x512x1xf32> to vector<512x1xf32>
    %ge3A_1050 = vector.broadcast %get3A_1049 : vector<512x1xf32> to vector<512x512xf32>
    %ge3A_1051 = vector.broadcast %get3A_991 : vector<1x512xf32> to vector<512x512xf32>
    %ge3A_1052 = arith.cmpf oge, %ge3A_1050, %ge3A_1051 : vector<512x512xf32>
    %jit3A_1053 = arith.constant 1 : i32
    %jit3A_1054 = arith.constant 0 : i32
    %broadcast_in_dim3A_1055 = vector.broadcast %jit3A_1053 : i32 to vector<512x512xi32>
    %broadcast_in_dim3A_1056 = vector.broadcast %jit3A_1054 : i32 to vector<512x512xi32>
    %select_n3A_1057 = arith.select %ge3A_1052, %broadcast_in_dim3A_1055, %broadcast_in_dim3A_1056 : vector<512x512xi1>, vector<512x512xi32>
    %reduce_sum3A_1058 = arith.constant dense<0> : vector<512xi32>
    %reduce_sum3A_1059 = vector.multi_reduction <add>, %select_n3A_1057, %reduce_sum3A_1058 [0] : vector<512x512xi32> to vector<512xi32>
    %broadcast_in_dim3A_1060 = vector.shape_cast %reduce_sum3A_1059 : vector<512xi32> to vector<1x512xi32>
    %add3A_1061 = arith.addi %add3A_1044, %broadcast_in_dim3A_1060 : vector<1x512xi32>
    %get3A_1062 = arith.constant 0 : index
    %get3A_1063 = arith.constant 2048 : index
    %get3A_1064 = arith.constant 0 : index
    %get3A_1065 = vector.load %arg2[%get3A_1062, %get3A_1063, %get3A_1064] : memref<1x4096x1xf32, #tpu.memory_space<vmem>>, vector<1x512x1xf32>
    %get3A_1066 = vector.shape_cast %get3A_1065 : vector<1x512x1xf32> to vector<512x1xf32>
    %ge3A_1067 = vector.broadcast %get3A_1066 : vector<512x1xf32> to vector<512x512xf32>
    %ge3A_1068 = vector.broadcast %get3A_991 : vector<1x512xf32> to vector<512x512xf32>
    %ge3A_1069 = arith.cmpf oge, %ge3A_1067, %ge3A_1068 : vector<512x512xf32>
    %jit3A_1070 = arith.constant 1 : i32
    %jit3A_1071 = arith.constant 0 : i32
    %broadcast_in_dim3A_1072 = vector.broadcast %jit3A_1070 : i32 to vector<512x512xi32>
    %broadcast_in_dim3A_1073 = vector.broadcast %jit3A_1071 : i32 to vector<512x512xi32>
    %select_n3A_1074 = arith.select %ge3A_1069, %broadcast_in_dim3A_1072, %broadcast_in_dim3A_1073 : vector<512x512xi1>, vector<512x512xi32>
    %reduce_sum3A_1075 = arith.constant dense<0> : vector<512xi32>
    %reduce_sum3A_1076 = vector.multi_reduction <add>, %select_n3A_1074, %reduce_sum3A_1075 [0] : vector<512x512xi32> to vector<512xi32>
    %broadcast_in_dim3A_1077 = vector.shape_cast %reduce_sum3A_1076 : vector<512xi32> to vector<1x512xi32>
    %add3A_1078 = arith.addi %add3A_1061, %broadcast_in_dim3A_1077 : vector<1x512xi32>
    %get3A_1079 = arith.constant 0 : index
    %get3A_1080 = arith.constant 2560 : index
    %get3A_1081 = arith.constant 0 : index
    %get3A_1082 = vector.load %arg2[%get3A_1079, %get3A_1080, %get3A_1081] : memref<1x4096x1xf32, #tpu.memory_space<vmem>>, vector<1x512x1xf32>
    %get3A_1083 = vector.shape_cast %get3A_1082 : vector<1x512x1xf32> to vector<512x1xf32>
    %ge3A_1084 = vector.broadcast %get3A_1083 : vector<512x1xf32> to vector<512x512xf32>
    %ge3A_1085 = vector.broadcast %get3A_991 : vector<1x512xf32> to vector<512x512xf32>
    %ge3A_1086 = arith.cmpf oge, %ge3A_1084, %ge3A_1085 : vector<512x512xf32>
    %jit3A_1087 = arith.constant 1 : i32
    %jit3A_1088 = arith.constant 0 : i32
    %broadcast_in_dim3A_1089 = vector.broadcast %jit3A_1087 : i32 to vector<512x512xi32>
    %broadcast_in_dim3A_1090 = vector.broadcast %jit3A_1088 : i32 to vector<512x512xi32>
    %select_n3A_1091 = arith.select %ge3A_1086, %broadcast_in_dim3A_1089, %broadcast_in_dim3A_1090 : vector<512x512xi1>, vector<512x512xi32>
    %reduce_sum3A_1092 = arith.constant dense<0> : vector<512xi32>
    %reduce_sum3A_1093 = vector.multi_reduction <add>, %select_n3A_1091, %reduce_sum3A_1092 [0] : vector<512x512xi32> to vector<512xi32>
    %broadcast_in_dim3A_1094 = vector.shape_cast %reduce_sum3A_1093 : vector<512xi32> to vector<1x512xi32>
    %add3A_1095 = arith.addi %add3A_1078, %broadcast_in_dim3A_1094 : vector<1x512xi32>
    %get3A_1096 = arith.constant 0 : index
    %get3A_1097 = arith.constant 3072 : index
    %get3A_1098 = arith.constant 0 : index
    %get3A_1099 = vector.load %arg2[%get3A_1096, %get3A_1097, %get3A_1098] : memref<1x4096x1xf32, #tpu.memory_space<vmem>>, vector<1x512x1xf32>
    %get3A_1100 = vector.shape_cast %get3A_1099 : vector<1x512x1xf32> to vector<512x1xf32>
    %iota3A_1101 = tpu.iota {dimensions = array<i32: 0>} : vector<512x512xi32>
    %iota3A_1102 = tpu.iota {dimensions = array<i32: 1>} : vector<512x512xi32>
    %gt3A_1103 = vector.broadcast %get3A_1100 : vector<512x1xf32> to vector<512x512xf32>
    %gt3A_1104 = vector.broadcast %get3A_991 : vector<1x512xf32> to vector<512x512xf32>
    %gt3A_1105 = arith.cmpf ogt, %gt3A_1103, %gt3A_1104 : vector<512x512xf32>
    %eq3A_1106 = vector.broadcast %get3A_1100 : vector<512x1xf32> to vector<512x512xf32>
    %eq3A_1107 = vector.broadcast %get3A_991 : vector<1x512xf32> to vector<512x512xf32>
    %eq3A_1108 = arith.cmpf oeq, %eq3A_1106, %eq3A_1107 : vector<512x512xf32>
    %lt3A_1109 = arith.cmpi slt, %iota3A_1101, %iota3A_1102 : vector<512x512xi32>
    %and3A_1110 = arith.andi %eq3A_1108, %lt3A_1109 : vector<512x512xi1>
    %or3A_1111 = arith.ori %gt3A_1105, %and3A_1110 : vector<512x512xi1>
    %jit3A_1112 = arith.constant 1 : i32
    %jit3A_1113 = arith.constant 0 : i32
    %broadcast_in_dim3A_1114 = vector.broadcast %jit3A_1112 : i32 to vector<512x512xi32>
    %broadcast_in_dim3A_1115 = vector.broadcast %jit3A_1113 : i32 to vector<512x512xi32>
    %select_n3A_1116 = arith.select %or3A_1111, %broadcast_in_dim3A_1114, %broadcast_in_dim3A_1115 : vector<512x512xi1>, vector<512x512xi32>
    %reduce_sum3A_1117 = arith.constant dense<0> : vector<512xi32>
    %reduce_sum3A_1118 = vector.multi_reduction <add>, %select_n3A_1116, %reduce_sum3A_1117 [0] : vector<512x512xi32> to vector<512xi32>
    %broadcast_in_dim3A_1119 = vector.shape_cast %reduce_sum3A_1118 : vector<512xi32> to vector<1x512xi32>
    %add3A_1120 = arith.addi %add3A_1095, %broadcast_in_dim3A_1119 : vector<1x512xi32>
    %get3A_1121 = arith.constant 0 : index
    %get3A_1122 = arith.constant 3584 : index
    %get3A_1123 = arith.constant 0 : index
    %get3A_1124 = vector.load %arg2[%get3A_1121, %get3A_1122, %get3A_1123] : memref<1x4096x1xf32, #tpu.memory_space<vmem>>, vector<1x512x1xf32>
    %get3A_1125 = vector.shape_cast %get3A_1124 : vector<1x512x1xf32> to vector<512x1xf32>
    %gt3A_1126 = vector.broadcast %get3A_1125 : vector<512x1xf32> to vector<512x512xf32>
    %gt3A_1127 = vector.broadcast %get3A_991 : vector<1x512xf32> to vector<512x512xf32>
    %gt3A_1128 = arith.cmpf ogt, %gt3A_1126, %gt3A_1127 : vector<512x512xf32>
    %jit3A_1129 = arith.constant 1 : i32
    %jit3A_1130 = arith.constant 0 : i32
    %broadcast_in_dim3A_1131 = vector.broadcast %jit3A_1129 : i32 to vector<512x512xi32>
    %broadcast_in_dim3A_1132 = vector.broadcast %jit3A_1130 : i32 to vector<512x512xi32>
    %select_n3A_1133 = arith.select %gt3A_1128, %broadcast_in_dim3A_1131, %broadcast_in_dim3A_1132 : vector<512x512xi1>, vector<512x512xi32>
    %reduce_sum3A_1134 = arith.constant dense<0> : vector<512xi32>
    %reduce_sum3A_1135 = vector.multi_reduction <add>, %select_n3A_1133, %reduce_sum3A_1134 [0] : vector<512x512xi32> to vector<512xi32>
    %broadcast_in_dim3A_1136 = vector.shape_cast %reduce_sum3A_1135 : vector<512xi32> to vector<1x512xi32>
    %add3A_1137 = arith.addi %add3A_1120, %broadcast_in_dim3A_1136 : vector<1x512xi32>
    %lt3A_1138 = arith.constant 2048 : i32
    %lt3A_1139 = vector.broadcast %lt3A_1138 : i32 to vector<1x512xi32>
    %lt3A_1140 = arith.cmpi slt, %add3A_1137, %lt3A_1139 : vector<1x512xi32>
    %mul3A_1141 = arith.constant 2048 : i32
    %mul3A_1142 = arith.muli %arg0, %mul3A_1141 : i32
    %add3A_1143 = vector.broadcast %mul3A_1142 : i32 to vector<1x512xi32>
    %add3A_1144 = arith.addi %add3A_1143, %add3A_1137 : vector<1x512xi32>
    %jit3A_1145 = arith.constant 32768 : i32
    %broadcast_in_dim3A_1146 = vector.broadcast %jit3A_1145 : i32 to vector<1x512xi32>
    %select_n3A_1147 = arith.select %lt3A_1140, %add3A_1144, %broadcast_in_dim3A_1146 : vector<1x512xi1>, vector<1x512xi32>
    %swap3A_1148 = arith.constant 0 : index
    %swap3A_1149 = arith.constant 0 : index
    %swap3A_1150 = arith.constant 3072 : index
    %swap3A_1151 = vector.load %arg3[%swap3A_1148, %swap3A_1149, %swap3A_1150] : memref<1x1x4096xi32, #tpu.memory_space<vmem>>, vector<1x1x512xi32>
    %swap3A_1152 = vector.shape_cast %swap3A_1151 : vector<1x1x512xi32> to vector<1x512xi32>
    %swap3A_1153 = vector.shape_cast %select_n3A_1147 : vector<1x512xi32> to vector<1x1x512xi32>
    tpu.vector_store %arg3[%swap3A_1148, %swap3A_1149, %swap3A_1150], %swap3A_1153 {strides = array<i32>} : memref<1x1x4096xi32, #tpu.memory_space<vmem>>, vector<1x1x512xi32>,
    %get3A_1154 = arith.constant 0 : index
    %get3A_1155 = arith.constant 0 : index
    %get3A_1156 = arith.constant 3584 : index
    %get3A_1157 = vector.load %arg1[%get3A_1154, %get3A_1155, %get3A_1156] : memref<1x1x4096xf32, #tpu.memory_space<vmem>>, vector<1x1x512xf32>
    %get3A_1158 = vector.shape_cast %get3A_1157 : vector<1x1x512xf32> to vector<1x512xf32>
    %broadcast_in_dim3A_1159 = arith.constant 0 : i32
    %broadcast_in_dim3A_1160 = vector.broadcast %broadcast_in_dim3A_1159 : i32 to vector<1x512xi32>
    %get3A_1161 = arith.constant 0 : index
    %get3A_1162 = arith.constant 0 : index
    %get3A_1163 = arith.constant 0 : index
    %get3A_1164 = vector.load %arg2[%get3A_1161, %get3A_1162, %get3A_1163] : memref<1x4096x1xf32, #tpu.memory_space<vmem>>, vector<1x512x1xf32>
    %get3A_1165 = vector.shape_cast %get3A_1164 : vector<1x512x1xf32> to vector<512x1xf32>
    %ge3A_1166 = vector.broadcast %get3A_1165 : vector<512x1xf32> to vector<512x512xf32>
    %ge3A_1167 = vector.broadcast %get3A_1158 : vector<1x512xf32> to vector<512x512xf32>
    %ge3A_1168 = arith.cmpf oge, %ge3A_1166, %ge3A_1167 : vector<512x512xf32>
    %jit3A_1169 = arith.constant 1 : i32
    %jit3A_1170 = arith.constant 0 : i32
    %broadcast_in_dim3A_1171 = vector.broadcast %jit3A_1169 : i32 to vector<512x512xi32>
    %broadcast_in_dim3A_1172 = vector.broadcast %jit3A_1170 : i32 to vector<512x512xi32>
    %select_n3A_1173 = arith.select %ge3A_1168, %broadcast_in_dim3A_1171, %broadcast_in_dim3A_1172 : vector<512x512xi1>, vector<512x512xi32>
    %reduce_sum3A_1174 = arith.constant dense<0> : vector<512xi32>
    %reduce_sum3A_1175 = vector.multi_reduction <add>, %select_n3A_1173, %reduce_sum3A_1174 [0] : vector<512x512xi32> to vector<512xi32>
    %broadcast_in_dim3A_1176 = vector.shape_cast %reduce_sum3A_1175 : vector<512xi32> to vector<1x512xi32>
    %add3A_1177 = arith.addi %broadcast_in_dim3A_1160, %broadcast_in_dim3A_1176 : vector<1x512xi32>
    %get3A_1178 = arith.constant 0 : index
    %get3A_1179 = arith.constant 512 : index
    %get3A_1180 = arith.constant 0 : index
    %get3A_1181 = vector.load %arg2[%get3A_1178, %get3A_1179, %get3A_1180] : memref<1x4096x1xf32, #tpu.memory_space<vmem>>, vector<1x512x1xf32>
    %get3A_1182 = vector.shape_cast %get3A_1181 : vector<1x512x1xf32> to vector<512x1xf32>
    %ge3A_1183 = vector.broadcast %get3A_1182 : vector<512x1xf32> to vector<512x512xf32>
    %ge3A_1184 = vector.broadcast %get3A_1158 : vector<1x512xf32> to vector<512x512xf32>
    %ge3A_1185 = arith.cmpf oge, %ge3A_1183, %ge3A_1184 : vector<512x512xf32>
    %jit3A_1186 = arith.constant 1 : i32
    %jit3A_1187 = arith.constant 0 : i32
    %broadcast_in_dim3A_1188 = vector.broadcast %jit3A_1186 : i32 to vector<512x512xi32>
    %broadcast_in_dim3A_1189 = vector.broadcast %jit3A_1187 : i32 to vector<512x512xi32>
    %select_n3A_1190 = arith.select %ge3A_1185, %broadcast_in_dim3A_1188, %broadcast_in_dim3A_1189 : vector<512x512xi1>, vector<512x512xi32>
    %reduce_sum3A_1191 = arith.constant dense<0> : vector<512xi32>
    %reduce_sum3A_1192 = vector.multi_reduction <add>, %select_n3A_1190, %reduce_sum3A_1191 [0] : vector<512x512xi32> to vector<512xi32>
    %broadcast_in_dim3A_1193 = vector.shape_cast %reduce_sum3A_1192 : vector<512xi32> to vector<1x512xi32>
    %add3A_1194 = arith.addi %add3A_1177, %broadcast_in_dim3A_1193 : vector<1x512xi32>
    %get3A_1195 = arith.constant 0 : index
    %get3A_1196 = arith.constant 1024 : index
    %get3A_1197 = arith.constant 0 : index
    %get3A_1198 = vector.load %arg2[%get3A_1195, %get3A_1196, %get3A_1197] : memref<1x4096x1xf32, #tpu.memory_space<vmem>>, vector<1x512x1xf32>
    %get3A_1199 = vector.shape_cast %get3A_1198 : vector<1x512x1xf32> to vector<512x1xf32>
    %ge3A_1200 = vector.broadcast %get3A_1199 : vector<512x1xf32> to vector<512x512xf32>
    %ge3A_1201 = vector.broadcast %get3A_1158 : vector<1x512xf32> to vector<512x512xf32>
    %ge3A_1202 = arith.cmpf oge, %ge3A_1200, %ge3A_1201 : vector<512x512xf32>
    %jit3A_1203 = arith.constant 1 : i32
    %jit3A_1204 = arith.constant 0 : i32
    %broadcast_in_dim3A_1205 = vector.broadcast %jit3A_1203 : i32 to vector<512x512xi32>
    %broadcast_in_dim3A_1206 = vector.broadcast %jit3A_1204 : i32 to vector<512x512xi32>
    %select_n3A_1207 = arith.select %ge3A_1202, %broadcast_in_dim3A_1205, %broadcast_in_dim3A_1206 : vector<512x512xi1>, vector<512x512xi32>
    %reduce_sum3A_1208 = arith.constant dense<0> : vector<512xi32>
    %reduce_sum3A_1209 = vector.multi_reduction <add>, %select_n3A_1207, %reduce_sum3A_1208 [0] : vector<512x512xi32> to vector<512xi32>
    %broadcast_in_dim3A_1210 = vector.shape_cast %reduce_sum3A_1209 : vector<512xi32> to vector<1x512xi32>
    %add3A_1211 = arith.addi %add3A_1194, %broadcast_in_dim3A_1210 : vector<1x512xi32>
    %get3A_1212 = arith.constant 0 : index
    %get3A_1213 = arith.constant 1536 : index
    %get3A_1214 = arith.constant 0 : index
    %get3A_1215 = vector.load %arg2[%get3A_1212, %get3A_1213, %get3A_1214] : memref<1x4096x1xf32, #tpu.memory_space<vmem>>, vector<1x512x1xf32>
    %get3A_1216 = vector.shape_cast %get3A_1215 : vector<1x512x1xf32> to vector<512x1xf32>
    %ge3A_1217 = vector.broadcast %get3A_1216 : vector<512x1xf32> to vector<512x512xf32>
    %ge3A_1218 = vector.broadcast %get3A_1158 : vector<1x512xf32> to vector<512x512xf32>
    %ge3A_1219 = arith.cmpf oge, %ge3A_1217, %ge3A_1218 : vector<512x512xf32>
    %jit3A_1220 = arith.constant 1 : i32
    %jit3A_1221 = arith.constant 0 : i32
    %broadcast_in_dim3A_1222 = vector.broadcast %jit3A_1220 : i32 to vector<512x512xi32>
    %broadcast_in_dim3A_1223 = vector.broadcast %jit3A_1221 : i32 to vector<512x512xi32>
    %select_n3A_1224 = arith.select %ge3A_1219, %broadcast_in_dim3A_1222, %broadcast_in_dim3A_1223 : vector<512x512xi1>, vector<512x512xi32>
    %reduce_sum3A_1225 = arith.constant dense<0> : vector<512xi32>
    %reduce_sum3A_1226 = vector.multi_reduction <add>, %select_n3A_1224, %reduce_sum3A_1225 [0] : vector<512x512xi32> to vector<512xi32>
    %broadcast_in_dim3A_1227 = vector.shape_cast %reduce_sum3A_1226 : vector<512xi32> to vector<1x512xi32>
    %add3A_1228 = arith.addi %add3A_1211, %broadcast_in_dim3A_1227 : vector<1x512xi32>
    %get3A_1229 = arith.constant 0 : index
    %get3A_1230 = arith.constant 2048 : index
    %get3A_1231 = arith.constant 0 : index
    %get3A_1232 = vector.load %arg2[%get3A_1229, %get3A_1230, %get3A_1231] : memref<1x4096x1xf32, #tpu.memory_space<vmem>>, vector<1x512x1xf32>
    %get3A_1233 = vector.shape_cast %get3A_1232 : vector<1x512x1xf32> to vector<512x1xf32>
    %ge3A_1234 = vector.broadcast %get3A_1233 : vector<512x1xf32> to vector<512x512xf32>
    %ge3A_1235 = vector.broadcast %get3A_1158 : vector<1x512xf32> to vector<512x512xf32>
    %ge3A_1236 = arith.cmpf oge, %ge3A_1234, %ge3A_1235 : vector<512x512xf32>
    %jit3A_1237 = arith.constant 1 : i32
    %jit3A_1238 = arith.constant 0 : i32
    %broadcast_in_dim3A_1239 = vector.broadcast %jit3A_1237 : i32 to vector<512x512xi32>
    %broadcast_in_dim3A_1240 = vector.broadcast %jit3A_1238 : i32 to vector<512x512xi32>
    %select_n3A_1241 = arith.select %ge3A_1236, %broadcast_in_dim3A_1239, %broadcast_in_dim3A_1240 : vector<512x512xi1>, vector<512x512xi32>
    %reduce_sum3A_1242 = arith.constant dense<0> : vector<512xi32>
    %reduce_sum3A_1243 = vector.multi_reduction <add>, %select_n3A_1241, %reduce_sum3A_1242 [0] : vector<512x512xi32> to vector<512xi32>
    %broadcast_in_dim3A_1244 = vector.shape_cast %reduce_sum3A_1243 : vector<512xi32> to vector<1x512xi32>
    %add3A_1245 = arith.addi %add3A_1228, %broadcast_in_dim3A_1244 : vector<1x512xi32>
    %get3A_1246 = arith.constant 0 : index
    %get3A_1247 = arith.constant 2560 : index
    %get3A_1248 = arith.constant 0 : index
    %get3A_1249 = vector.load %arg2[%get3A_1246, %get3A_1247, %get3A_1248] : memref<1x4096x1xf32, #tpu.memory_space<vmem>>, vector<1x512x1xf32>
    %get3A_1250 = vector.shape_cast %get3A_1249 : vector<1x512x1xf32> to vector<512x1xf32>
    %ge3A_1251 = vector.broadcast %get3A_1250 : vector<512x1xf32> to vector<512x512xf32>
    %ge3A_1252 = vector.broadcast %get3A_1158 : vector<1x512xf32> to vector<512x512xf32>
    %ge3A_1253 = arith.cmpf oge, %ge3A_1251, %ge3A_1252 : vector<512x512xf32>
    %jit3A_1254 = arith.constant 1 : i32
    %jit3A_1255 = arith.constant 0 : i32
    %broadcast_in_dim3A_1256 = vector.broadcast %jit3A_1254 : i32 to vector<512x512xi32>
    %broadcast_in_dim3A_1257 = vector.broadcast %jit3A_1255 : i32 to vector<512x512xi32>
    %select_n3A_1258 = arith.select %ge3A_1253, %broadcast_in_dim3A_1256, %broadcast_in_dim3A_1257 : vector<512x512xi1>, vector<512x512xi32>
    %reduce_sum3A_1259 = arith.constant dense<0> : vector<512xi32>
    %reduce_sum3A_1260 = vector.multi_reduction <add>, %select_n3A_1258, %reduce_sum3A_1259 [0] : vector<512x512xi32> to vector<512xi32>
    %broadcast_in_dim3A_1261 = vector.shape_cast %reduce_sum3A_1260 : vector<512xi32> to vector<1x512xi32>
    %add3A_1262 = arith.addi %add3A_1245, %broadcast_in_dim3A_1261 : vector<1x512xi32>
    %get3A_1263 = arith.constant 0 : index
    %get3A_1264 = arith.constant 3072 : index
    %get3A_1265 = arith.constant 0 : index
    %get3A_1266 = vector.load %arg2[%get3A_1263, %get3A_1264, %get3A_1265] : memref<1x4096x1xf32, #tpu.memory_space<vmem>>, vector<1x512x1xf32>
    %get3A_1267 = vector.shape_cast %get3A_1266 : vector<1x512x1xf32> to vector<512x1xf32>
    %ge3A_1268 = vector.broadcast %get3A_1267 : vector<512x1xf32> to vector<512x512xf32>
    %ge3A_1269 = vector.broadcast %get3A_1158 : vector<1x512xf32> to vector<512x512xf32>
    %ge3A_1270 = arith.cmpf oge, %ge3A_1268, %ge3A_1269 : vector<512x512xf32>
    %jit3A_1271 = arith.constant 1 : i32
    %jit3A_1272 = arith.constant 0 : i32
    %broadcast_in_dim3A_1273 = vector.broadcast %jit3A_1271 : i32 to vector<512x512xi32>
    %broadcast_in_dim3A_1274 = vector.broadcast %jit3A_1272 : i32 to vector<512x512xi32>
    %select_n3A_1275 = arith.select %ge3A_1270, %broadcast_in_dim3A_1273, %broadcast_in_dim3A_1274 : vector<512x512xi1>, vector<512x512xi32>
    %reduce_sum3A_1276 = arith.constant dense<0> : vector<512xi32>
    %reduce_sum3A_1277 = vector.multi_reduction <add>, %select_n3A_1275, %reduce_sum3A_1276 [0] : vector<512x512xi32> to vector<512xi32>
    %broadcast_in_dim3A_1278 = vector.shape_cast %reduce_sum3A_1277 : vector<512xi32> to vector<1x512xi32>
    %add3A_1279 = arith.addi %add3A_1262, %broadcast_in_dim3A_1278 : vector<1x512xi32>
    %get3A_1280 = arith.constant 0 : index
    %get3A_1281 = arith.constant 3584 : index
    %get3A_1282 = arith.constant 0 : index
    %get3A_1283 = vector.load %arg2[%get3A_1280, %get3A_1281, %get3A_1282] : memref<1x4096x1xf32, #tpu.memory_space<vmem>>, vector<1x512x1xf32>
    %get3A_1284 = vector.shape_cast %get3A_1283 : vector<1x512x1xf32> to vector<512x1xf32>
    %iota3A_1285 = tpu.iota {dimensions = array<i32: 0>} : vector<512x512xi32>
    %iota3A_1286 = tpu.iota {dimensions = array<i32: 1>} : vector<512x512xi32>
    %gt3A_1287 = vector.broadcast %get3A_1284 : vector<512x1xf32> to vector<512x512xf32>
    %gt3A_1288 = vector.broadcast %get3A_1158 : vector<1x512xf32> to vector<512x512xf32>
    %gt3A_1289 = arith.cmpf ogt, %gt3A_1287, %gt3A_1288 : vector<512x512xf32>
    %eq3A_1290 = vector.broadcast %get3A_1284 : vector<512x1xf32> to vector<512x512xf32>
    %eq3A_1291 = vector.broadcast %get3A_1158 : vector<1x512xf32> to vector<512x512xf32>
    %eq3A_1292 = arith.cmpf oeq, %eq3A_1290, %eq3A_1291 : vector<512x512xf32>
    %lt3A_1293 = arith.cmpi slt, %iota3A_1285, %iota3A_1286 : vector<512x512xi32>
    %and3A_1294 = arith.andi %eq3A_1292, %lt3A_1293 : vector<512x512xi1>
    %or3A_1295 = arith.ori %gt3A_1289, %and3A_1294 : vector<512x512xi1>
    %jit3A_1296 = arith.constant 1 : i32
    %jit3A_1297 = arith.constant 0 : i32
    %broadcast_in_dim3A_1298 = vector.broadcast %jit3A_1296 : i32 to vector<512x512xi32>
    %broadcast_in_dim3A_1299 = vector.broadcast %jit3A_1297 : i32 to vector<512x512xi32>
    %select_n3A_1300 = arith.select %or3A_1295, %broadcast_in_dim3A_1298, %broadcast_in_dim3A_1299 : vector<512x512xi1>, vector<512x512xi32>
    %reduce_sum3A_1301 = arith.constant dense<0> : vector<512xi32>
    %reduce_sum3A_1302 = vector.multi_reduction <add>, %select_n3A_1300, %reduce_sum3A_1301 [0] : vector<512x512xi32> to vector<512xi32>
    %broadcast_in_dim3A_1303 = vector.shape_cast %reduce_sum3A_1302 : vector<512xi32> to vector<1x512xi32>
    %add3A_1304 = arith.addi %add3A_1279, %broadcast_in_dim3A_1303 : vector<1x512xi32>
    %lt3A_1305 = arith.constant 2048 : i32
    %lt3A_1306 = vector.broadcast %lt3A_1305 : i32 to vector<1x512xi32>
    %lt3A_1307 = arith.cmpi slt, %add3A_1304, %lt3A_1306 : vector<1x512xi32>
    %mul3A_1308 = arith.constant 2048 : i32
    %mul3A_1309 = arith.muli %arg0, %mul3A_1308 : i32
    %add3A_1310 = vector.broadcast %mul3A_1309 : i32 to vector<1x512xi32>
    %add3A_1311 = arith.addi %add3A_1310, %add3A_1304 : vector<1x512xi32>
    %jit3A_1312 = arith.constant 32768 : i32
    %broadcast_in_dim3A_1313 = vector.broadcast %jit3A_1312 : i32 to vector<1x512xi32>
    %select_n3A_1314 = arith.select %lt3A_1307, %add3A_1311, %broadcast_in_dim3A_1313 : vector<1x512xi1>, vector<1x512xi32>
    %swap3A_1315 = arith.constant 0 : index
    %swap3A_1316 = arith.constant 0 : index
    %swap3A_1317 = arith.constant 3584 : index
    %swap3A_1318 = vector.load %arg3[%swap3A_1315, %swap3A_1316, %swap3A_1317] : memref<1x1x4096xi32, #tpu.memory_space<vmem>>, vector<1x1x512xi32>
    %swap3A_1319 = vector.shape_cast %swap3A_1318 : vector<1x1x512xi32> to vector<1x512xi32>
    %swap3A_1320 = vector.shape_cast %select_n3A_1314 : vector<1x512xi32> to vector<1x1x512xi32>
    tpu.vector_store %arg3[%swap3A_1315, %swap3A_1316, %swap3A_1317], %swap3A_1320 {strides = array<i32>} : memref<1x1x4096xi32, #tpu.memory_space<vmem>>, vector<1x1x512xi32>,
    return
  }
  func.func @transform_0(%arg0: i32) -> (i32, i32, i32) {
    %c0_i32 = arith.constant 0 : i32
    %c0_i32_0 = arith.constant 0 : i32
    %c0_i32_1 = arith.constant 0 : i32
    return %arg0, %c0_i32, %c0_i32_0 : i32, i32, i32
  }
  func.func @transform_1(%arg0: i32) -> (i32, i32, i32) {
    %c0_i32 = arith.constant 0 : i32
    %c0_i32_0 = arith.constant 0 : i32
    %c0_i32_1 = arith.constant 0 : i32
    return %arg0, %c0_i32, %c0_i32_0 : i32, i32, i32
  }
  func.func @transform_2(%arg0: i32) -> (i32, i32, i32) {
    %c0_i32 = arith.constant 0 : i32
    %c0_i32_0 = arith.constant 0 : i32
    %c0_i32_1 = arith.constant 0 : i32
    return %arg0, %c0_i32, %c0_i32_0 : i32, i32, i32
  }
}

</mosaic_0001>

<sc_bundles>
// kernel: kernel.5.cloned.1.call-start
scs
__scs_entry_jumppad:
0x0: {  	(pc) =	sbr.rel $0x88, $3  }
0x1: {  	(tag) =	ssettag $0x0;
	lr =	simm.s32 $0x1  }
0x2: {  	[smem:$0x3F9D] =	sst lr;
	_ =	strace $0xD0000000  }
0x3: {  	_ = 	snop  }
0x4: {  	_ = 	snop  }
0x5: {  	_ = 	snop  }
0x6: {  	_ = 	snop  }
0x7: {  	_ = 	snop  }
__scs_overlays_trampoline_lowered:
0x8: {  	[smem:$0x3FAC] =	sst s0  }
0x9: {  	[smem:$0x3FAD] =	sst s1  }
0xa: {  	[smem:$0x3FAE] =	sst s2  }
0xb: {  	[smem:$0x3FAF] =	sst s3  }
0xc: {  	[smem:$0x3FB0] =	sst s4  }
0xd: {  	[smem:$0x3FB1] =	sst s5  }
0xe: {  	[smem:$0x3FB2] =	sst s6  }
0xf: {  	[smem:$0x3FB3] =	sst s7  }
0x10: {  	[smem:$0x3FB4] =	sst s8  }
0x11: {  	[smem:$0x3FB5] =	sst s9;
	s0 =	simm.s32 @!p0 $0x0  }
0x12: {  	s1 =	sld [smem:$0x3F9B];
	s0 =	simm.s32 @p0 $0x1  }
0x13: {  	[smem:$0x3FB6] =	sst s0;
	s0 =	simm.s32 @!p1 $0x0  }
0x14: {  	s2 =	sld [smem:$0x3F9A];
	s0 =	simm.s32 @p1 $0x1  }
0x15: {  	[smem:$0x3FB7] =	sst s0;
	s0 =	simm.s32 @!p2 $0x0  }
0x16: {  	s3 =	sld [smem:$0x3FDB];
	s0 =	simm.s32 @p2 $0x1  }
0x17: {  	s4 =	simm.s32 $0x1BF5;
	[smem:$0x3FB9] =	sst s0  }
0x18: {  	s0 =	sld [smem:$0x3F9C];
	_ =	swait.ge [sflag:s4], $0x0  }
0x19: {  	s7 =	sld [smem:$0x3F9D]  }
0x1a: {  	s8 =	sadd.s32 $0xFFFFE003, lr  }
0x1b: {  	s9 =	sadd.s32 $0xFFFFFEF7, lr;
	s5 =	simm.s32 $0xFFFFFFFF;
	p2 =	slt.u32 s8, $0xFFFFF086  }
0x1c: {  	p1 =	slt.u32 s9, $0xF7A;
	s5 =	simm.s32 @!p2 $0x0  }
0x1d: {  	s5 =	simm.s32 @p1 $0x1;
	p0 =	seq.s32 s7, s2  }
0x1e: {  	s7 =	smul.u32 @!p0 $0xF7A, s2;
	p2 =	seq.s32 @!p0 s5, $0x0  }
0x1f: {  	s9 =	smul.u32 $0xF7A, s1;
	s8 =	simm.s32 @!p0 $0x1BF5;
	p2 =	por !p2, p0  }
0x20: {  	[sflag:s8] =	ssyncset.s32 @!p0 $0xFFFFF086;
	s6 =	sadd.s32 @!p0 s3, s7;
	s7 =	simm.s32 @!p0 $0x108  }
0x21: {  	s3 =	sadd.s32 s3, s9;
	s6 =	sadd.s32 @!p0 $0x88, s6;
	s7 =	simm.s32 @p2 $0x1082  }
0x22: {  	[simem:s7], [sflag:s8] =	dma.local @!p0 [hbm:s6], $0xF7A  }
0x23: {  	s9 =	sor.u32 $0xD0000000, s2;
	s6 =	simm.s32 $0x108;
	_ =	swait.ge @!p0 [sflag:s8], $0x0  }
0x24: {  	s3 =	sadd.s32 $0x88, s3;
	s6 =	simm.s32 @!p1 $0x1082;
	[sflag:s4] =	ssyncset.s32 $0xFFFFF086  }
0x25: {  	[simem:s6], [sflag:s4] =	dma.local [hbm:s3], $0xF7A  }
0x26: {  	[smem:$0x3F9D] =	sst s1;
	(tag) =	ssettag s2;
	_ =	strace s9  }
0x27: {  	s1 =	sld [smem:$0x3FAD]  }
0x28: {  	s2 =	sld [smem:$0x3FAE]  }
0x29: {  	s4 =	sld [smem:$0x3FB0]  }
0x2a: {  	p0 =	seq.s32 s5, $0x0;
	s5 =	sld [smem:$0x3FB1]  }
0x2b: {  	s6 =	sld [smem:$0x3FB2]  }
0x2c: {  	s7 =	sld [smem:$0x3FB3]  }
0x2d: {  	s3 =	simm.s32 $0x108;
	s8 =	sld [smem:$0x3FB4]  }
0x2e: {  	s3 =	simm.s32 @!p0 $0x1082;
	s9 =	sld [smem:$0x3FB5]  }
0x2f: {  	lr =	sadd.s32 s0, s3;
	s0 =	sld [smem:$0x3FAC]  }
0x30: {  	s3 =	sld [smem:$0x3FAF]  }
0x31: {  	[smem:$0x3FB8] =	sst s10  }
0x32: {  	s10 =	sld [smem:$0x3FB6];
	_ =	sdelay $0x3  }
0x33: {  	p0 =	seq.s32 s10, $0x1;
	s10 =	sld [smem:$0x3FB8];
	_ =	sdelay $0x3  }
0x34: {  	[smem:$0x3FB8] =	sst s10  }
0x35: {  	s10 =	sld [smem:$0x3FB7];
	_ =	sdelay $0x3  }
0x36: {  	p1 =	seq.s32 s10, $0x1;
	s10 =	sld [smem:$0x3FB8];
	_ =	sdelay $0x3  }
0x37: {  	[smem:$0x3FB8] =	sst s10  }
0x38: {  	s10 =	sld [smem:$0x3FB9]  }
0x39: {  	_ = 	snop;
	(pc) =	sbr.ind lr, $3  }
0x3a: {  	_ = 	snop  }
0x3b: {  	_ = 	snop  }
0x3c: {  	p2 =	seq.s32 s10, $0x1;
	s10 =	sld [smem:$0x3FB8]  }
0x3d: {  	_ =	shalt  }
0x3e: {  	_ =	shalt  }
0x3f: {  	_ =	shalt  }
0x40: {  	_ =	shalt  }
0x41: {  	_ =	shalt  }
0x42: {  	_ =	shalt  }
0x43: {  	_ =	shalt  }
0x44: {  	_ =	shalt  }
0x45: {  	_ =	shalt  }
0x46: {  	_ =	shalt  }
0x47: {  	_ =	shalt  }
0x48: {  	_ =	shalt  }
0x49: {  	_ =	shalt  }
0x4a: {  	_ =	shalt  }
0x4b: {  	_ =	shalt  }
0x4c: {  	_ =	shalt  }
0x4d: {  	_ =	shalt  }
0x4e: {  	_ =	shalt  }
0x4f: {  	_ =	shalt  }
0x50: {  	_ =	shalt  }
0x51: {  	_ =	shalt  }
0x52: {  	_ =	shalt  }
0x53: {  	_ =	shalt  }
0x54: {  	_ =	shalt  }
0x55: {  	_ =	shalt  }
0x56: {  	_ =	shalt  }
0x57: {  	_ =	shalt  }
0x58: {  	_ =	shalt  }
0x59: {  	_ =	shalt  }
0x5a: {  	_ =	shalt  }
0x5b: {  	_ =	shalt  }
0x5c: {  	_ =	shalt  }
0x5d: {  	_ =	shalt  }
0x5e: {  	_ =	shalt  }
0x5f: {  	_ =	shalt  }
0x60: {  	_ =	shalt  }
0x61: {  	_ =	shalt  }
0x62: {  	_ =	shalt  }
0x63: {  	_ =	shalt  }
0x64: {  	_ =	shalt  }
0x65: {  	_ =	shalt  }
0x66: {  	_ =	shalt  }
0x67: {  	_ =	shalt  }
0x68: {  	_ =	shalt  }
0x69: {  	_ =	shalt  }
0x6a: {  	_ =	shalt  }
0x6b: {  	_ =	shalt  }
0x6c: {  	_ =	shalt  }
0x6d: {  	_ =	shalt  }
0x6e: {  	_ =	shalt  }
0x6f: {  	_ =	shalt  }
0x70: {  	_ =	shalt  }
0x71: {  	_ =	shalt  }
0x72: {  	_ =	shalt  }
0x73: {  	_ =	shalt  }
0x74: {  	_ =	shalt  }
0x75: {  	_ =	shalt  }
0x76: {  	_ =	shalt  }
0x77: {  	_ =	shalt  }
0x78: {  	_ =	shalt  }
0x79: {  	_ =	shalt  }
0x7a: {  	_ =	shalt  }
0x7b: {  	_ =	shalt  }
0x7c: {  	_ =	shalt  }
0x7d: {  	_ =	shalt  }
0x7e: {  	_ =	shalt  }
0x7f: {  	_ =	shalt  }
0x80: {  	_ =	shalt  }
0x81: {  	_ =	shalt  }
0x82: {  	_ =	shalt  }
0x83: {  	_ =	shalt  }
0x84: {  	_ =	shalt  }
0x85: {  	_ =	shalt  }
0x86: {  	_ =	shalt  }
0x87: {  	_ =	shalt  }
.Lfunc_end0:
.L_simem_size_0:
called_computation_lowered:
.L_overlay_start_0:
0x88: {  	s2 =	sld [smem:$0x3FD9]  }
0x89: {  	s3 =	sld [smem:$0x3FFE];
	_ =	sdelay $0x1  }
0x8a: {  	s1 =	srdreg.scid  }
0x8b: {  	s0 =	sand.u32 $0x1, s1  }
0x8c: {  	s17 =	sshll.u32 s0, $0xA;
	s2 =	sadd.s32 s3, s2  }
0x8d: {  	s2 =	sadd.s32 s2, s17  }
0x8e: {  	[smem:$0x3FC4] =	sst s2  }
0x8f: {  	_ = 	snop  }
0x90: {  	s2 =	sld [smem:$0x3FC9]  }
0x91: {  	s18 =	sld [smem:$0x3FD0];
	(tm) =	ssettm $0x1  }
0x92: {  	s4 =	sld [smem:$0x3FFB];
	_ =	sdelay $0x3  }
0x93: {  	_ =	strace s4  }
0x94: {  	s4 =	sld [smem:$0x3FFC];
	_ =	sdelay $0x3  }
0x95: {  	_ =	strace s4  }
0x96: {  	s4 =	sld [smem:$0x3FFD];
	_ =	sdelay $0x3  }
0x97: {  	_ =	strace s4  }
0x98: {  	_ =	strace $0x8FFFFFFF  }
0x99: {  	s19 =	sld [smem:$0x3FDB];
	_ =	sdelay $0x1  }
0x9a: {  	s5 =	simm.s32 $_scs_section_size  }
0x9b: {  	s6 =	simm.s32 $_size__tile_overlayer_lowered;
	s7 =	simm.s32 $_tile_overlayer_lowered  }
0x9c: {  	s22 =	simm.s32 $0x1BFF;
	s21 =	sshll.u32 s7, $0x1;
	s4 =	sadd.s32 s5, s19  }
0x9d: {  	s8 =	simm.s32 $0x0;
	s20 =	sshll.u32 s6, $0x1;
	s6 =	sadd.s32 s21, s4  }
0x9e: {  	[timem:s8], [sflag:s22] =	dma.local [hbm:s6], s20  }
0x9f: {  	_ =	swait.ge [sflag:s22], s20  }
0xa0: {  	s5 =	ssub.s32 $0x0, s20;
	[sflag:s22] =	ssyncset.done $0x0  }
0xa1: {  	[sflag:s22] =	ssyncadd.s32 s5;
	_ =	sdelay $0x1  }
0xa2: {  	s23 =	simm.s32 $0x1B8B  }
0xa3: {  	_ =	swait.ge [sflag:s23], $0x1  }
0xa4: {  	[sflag:s23] =	ssyncset.done $0x0  }
0xa5: {  	s25 =	simm.s32 $0x1B8E;
	s24 =	sld [smem:$0x3FFE];
	[sflag:s23] =	ssyncadd.s32 $0xFFFFFFFF  }
0xa6: {  	s26 =	simm.s32 $execute0_lowered;
	[smem:$0x3FD2] =	sst s25  }
0xa7: {  	s6 =	sshll.u32 s26, $0x1;
	_ =	strace $0x80000046;
	[dreg:$0x1] =	wrdreg $0xFFFFFFFF  }
0xa8: {  	s28 =	simm.s32 $_size_execute0_lowered;
	s4 =	sadd.s32 s4, s6;
	[dreg:$0x0] =	wrdreg $0x0  }
0xa9: {  	s6 =	sshll.u32 s28, $0x1;
	[dreg:$0x2] =	wrdreg s4  }
0xaa: {  	[dreg:$0x3] =	wrdreg s6  }
0xab: {  	[dreg:$0x4] =	wrdreg $0xC0  }
0xac: {  	_ =	task [dreg:s8], $0x5FFFF  }
0xad: {  	[dreg:$0x1] =	wrdreg $0xFFFFFFFF  }
0xae: {  	[dreg:$0x0] =	wrdreg $0x60  }
0xaf: {  	[dreg:$0x2] =	wrdreg s2  }
0xb0: {  	[dreg:$0x3] =	wrdreg s18  }
0xb1: {  	[dreg:$0x4] =	wrdreg s24  }
0xb2: {  	[dreg:$0x5] =	wrdreg $0x9  }
0xb3: {  	_ =	task.clear_ibuf [dreg:s8], $0x6FFFF;
	_ =	strace $0x90000046  }
0xb4: {  	s29 =	simm.s32 $0x9;
	_ =	strace $0x80000048  }
0xb5: {  	_ =	swait.ge [sflag:s29], $0x1  }
0xb6: {  	[sflag:s29] =	ssyncadd.s32 $0xFFFFFFFF  }
0xb7: {  	_ =	strace $0x90000048  }
0xb8: {  	_ =	sfence  }
0xb9: {  	s30 =	sld [smem:$0x0];
	_ =	sdelay $0x2  }
0xba: {  	s31 =	sshll.u32 s1, $0xD;
	s1 =	sshrl.u32 s1, $0x2  }
0xbb: {  	s3 =	sand.u32 $0x4000, s31;
	s1 =	sadd.s32 s1, s30  }
0xbc: {  	s0 =	sor.u32 s3, s0;
	s1 =	sshll.u32 s1, $0x11  }
0xbd: {  	s0 =	sor.u32 s1, s0  }
0xbe: {  	s0 =	sadd.s32 $0x8F2B, s0  }
0xbf: {  	[sflag:s0] =	ssyncadd.remote.s32 $0x1  }
0xc0: {  	_ =	sfence.sel $0xFFFF  }
0xc1: {  	[dreg:$0x0] =	wrdreg $0xFFFFFFFF;
	(pc) =	sbr.abs _section_cstart, $3  }
0xc2: {  	[dreg:$0x1] =	wrdreg $0xFFFFFFFF  }
0xc3: {  	_ =	task.clear_ibuf [dreg:s8], $0x2FFFF;
	_ =	strace $0x9FFFFFFF  }
0xc4: {  	(tm) =	ssettm $0x7FFFFFFF  }
0xc5: {  	_ =	shalt  }
tec
execute0_lowered:
.L_overlay_start_1:
0x0: {  	(tag) =	ssettag $0x1  }
0x1: {  	s4 =	rddreg [dreg:$0x0]  }
0x2: {  	s5 =	rddreg [dreg:$0x1]  }
0x3: {  	s2 =	rddreg [dreg:$0x2];
	s3 =	simm.s32 $0x0  }
0x4: {  	s15 =	simm.s32 $0x4800;
	[smem:$0x7FF] =	sst s3  }
0x5: {  	s16 =	simm.s32 $0x5000;
	_ =	strace $0x80000047;
	[dreg:$0x5] =	wrdreg s15  }
0x6: {  	s17 =	simm.s32 $0x5800;
	[dreg:$0x6] =	wrdreg s16  }
0x7: {  	s18 =	simm.s32 $0x6800;
	[dreg:$0x7] =	wrdreg s17  }
0x8: {  	s20 =	simm.s32 $0x7000;
	[dreg:$0x8] =	wrdreg s18  }
0x9: {  	s6 =	srdreg.scid;
	s21 =	simm.s32 $0x7800;
	[dreg:$0x9] =	wrdreg s20  }
0xa: {  	s1 =	stileid.u32;
	s22 =	simm.s32 $0x8800;
	[dreg:$0xa] =	wrdreg s21  }
0xb: {  	s24 =	simm.s32 $0x9000;
	s25 =	simm.s32 $0x9800;
	[dreg:$0xb] =	wrdreg s22  }
0xc: {  	s26 =	simm.s32 $0xA800;
	s28 =	simm.s32 $0xB000;
	[dreg:$0xc] =	wrdreg s24  }
0xd: {  	s29 =	simm.s32 $0xB800;
	s30 =	simm.s32 $0xC800;
	[dreg:$0xd] =	wrdreg s25  }
0xe: {  	s9 =	simm.s32 $0xD000;
	s10 =	simm.s32 $0xD800;
	[dreg:$0xe] =	wrdreg s26  }
0xf: {  	s11 =	simm.s32 $0xE800;
	s12 =	simm.s32 $0xF000;
	[dreg:$0xf] =	wrdreg s28  }
0x10: {  	s13 =	simm.s32 $0xF800;
	s31 =	simm.s32 $0x11800;
	[dreg:$0x10] =	wrdreg s29  }
0x11: {  	s6 =	sand.u32 $0x1, s6;
	s7 =	sshll.u32 s1, $0x12;
	[dreg:$0x11] =	wrdreg s30  }
0x12: {  	s23 =	sshll.u32 s1, $0xC;
	s4 =	sadd.s32 s7, s4;
	[dreg:$0x12] =	wrdreg s9  }
0x13: {  	s14 =	sshll.u32 s6, $0x11;
	s19 =	ssub.s32 $0x2, s6;
	[dreg:$0x13] =	wrdreg s10  }
0x14: {  	s6 =	sshll.u32 s6, $0xB;
	s9 =	simm.s32 $0x6000;
	[dreg:$0x14] =	wrdreg s11  }
0x15: {  	s10 =	simm.s32 $0x8000;
	s11 =	simm.s32 $0xA000;
	[dreg:$0x15] =	wrdreg s12  }
0x16: {  	s12 =	simm.s32 $0xC000;
	[dreg:$0x16] =	wrdreg s13;
	s13 =	simm.s32 $0xE000  }
0x17: {  	s15 =	simm.s32 $0x11000;
	[dreg:$0x19] =	wrdreg s31;
	s16 =	simm.s32 $0x12800  }
0x18: {  	s17 =	simm.s32 $0x13800;
	s18 =	simm.s32 $0x1;
	s20 =	simm.s32 $0x3  }
0x19: {  	s21 =	simm.s32 $0x4;
	s22 =	simm.s32 $0x5;
	s24 =	simm.s32 $0x7  }
0x1a: {  	s25 =	simm.s32 $0x8;
	s26 =	simm.s32 $0x0;
	s4 =	sadd.s32 s14, s4  }
0x1b: {  	s8 =	sshrl.u32 s19, $0x1;
	s6 =	sor.u32 s6, s23;
	[dreg:$0x18] =	wrdreg s15  }
0x1c: {  	s14 =	simm.s32 $0x10800;
	s15 =	simm.s32 $0x12000;
	[dreg:$0x1a] =	wrdreg s16  }
0x1d: {  	s16 =	simm.s32 $0x13000;
	s23 =	simm.s32 $0x6;
	[dreg:$0x4] =	wrdreg s4  }
0x1e: {  	v2 =	vlaneseq.u32;
	s7 =	ssub.s32 s19, s8;
	s4 =	sadd.s32 s5, s6;
	s5 =	sadd.s32 $0x100, s2  }
0x1f: {  	vm0 =	vmmov $0xffff;
	v1 =	vshrl.u32 v2, $0x3;
	s8 =	simm.s32 $0x4000;
	[dreg:$0x17] =	wrdreg s14;
	s14 =	simm.s32 $0x10000  }
0x20: {  	v0 =	vand.u32 $0x7, v2;
	v2 =	vor.u32 $0x8, v2;
	v1 =	vmul.u32 $0x8, v1;
	s19 =	simm.s32 $0x2;
	s6 =	smax.u32 s7, $0x1;
	s7 =	simm.s32 $0x9  }
.LBB2_1:
0x21: {  	[tilespmem:s3], [sflag:$0x9] =	stream.linear.gather [hbm4b:s4+s3], $0x4000, $0x38;
	[tilespmem:$0x14000] =	vst v63  }
0x22: {  	_ =	swait.ge [sflag:s7], $0x4000  }
0x23: {  	[sflag:s7] =	ssyncset.done $0x0  }
0x24: {  	s28 =	simm.s32 $0x200;
	s29 =	simm.s32 $0x0;
	[sflag:s7] =	ssyncadd.s32 $0xFFFFC000  }
.LBB2_2:
0x25: {  	p0 =	seq.s32 s29, $0x0  }
0x26: {  	s30 =	simm.s32 @!p0 $0x1  }
0x27: {  	_ =	swait.ge @!p0 [sflag:s30], $0x2000  }
0x28: {  	s31 =	rddreg [dreg:$0x4];
	[sflag:s30] =	ssyncset.done @!p0 $0x0  }
0x29: {  	[sflag:s30] =	ssyncadd.s32 @!p0 $0xFFFFE000;
	s30 =	sadd.s32 s29, s31  }
0x2a: {  	[tilespmem:s8], [sflag:$0x9] =	stream.linear.gather [hbm4b:s30+s3], $0x2000, $0x38;
	[tilespmem:$0x14000] =	vst v63  }
0x2b: {  	_ =	swait.ge [sflag:s7], $0x2000  }
0x2c: {  	[sflag:s7] =	ssyncset.done $0x0  }
0x2d: {  	[sflag:s7] =	ssyncadd.s32 $0xFFFFE000  }
0x2e: {  	v3 =	vld [tilespmem:s28+$0xFFFFFE00];
	_ =	sdelay $0x4  }
0x2f: {  	v4 =	vshll.u32 v3, $0x2  }
0x30: {  	v3 =	vand.u32 $0x7, v3;
	v4 =	vand.u32 $0xFFFFFFE0, v4  }
0x31: {  	v3 =	vor.u32 v3, v4  }
0x32: {  	v4 =	vperm.xlane v3, v0;
	_ =	sdelay $0x1  }
0x33: {  	v4 =	vadd.s32 v1, v4;
	_ =	sdelay $0x1  }
0x34: {  	v3 =	vperm.xlane v3, v2;
	_ =	sdelay $0x1  }
0x35: {  	v3 =	vadd.s32 v1, v3  }
0x36: {  	[hbm4b:s2+s3] =	stream.indirect_vreg.scatter [tilespmem:s8], [sflag:$0x1], $0x80, v4, vm0, $0xb8;
	[tilespmem:$0x14000] =	vst v63  }
0x37: {  	s31 =	rddreg [dreg:$0x5]  }
0x38: {  	[hbm4b:s5+s3] =	stream.indirect_vreg.scatter [tilespmem:s31], [sflag:$0x1], $0x80, v4, vm0, $0xb8;
	[tilespmem:$0x14000] =	vst v63  }
0x39: {  	s0 =	rddreg [dreg:$0x6]  }
0x3a: {  	[hbm4b:s2+s3] =	stream.indirect_vreg.scatter [tilespmem:s0], [sflag:$0x1], $0x80, v3, vm0, $0xb8;
	[tilespmem:$0x14000] =	vst v63  }
0x3b: {  	s31 =	rddreg [dreg:$0x7];
	s0 =	simm.s32 @!p0 $0x2  }
0x3c: {  	[hbm4b:s5+s3] =	stream.indirect_vreg.scatter [tilespmem:s31], [sflag:$0x1], $0x80, v3, vm0, $0xb8;
	[tilespmem:$0x14000] =	vst v63  }
0x3d: {  	_ =	swait.ge @!p0 [sflag:s0], $0x2000  }
0x3e: {  	[sflag:s0] =	ssyncset.done @!p0 $0x0  }
0x3f: {  	s31 =	sadd.s32 $0x400, s30;
	[sflag:s0] =	ssyncadd.s32 @!p0 $0xFFFFE000  }
0x40: {  	[tilespmem:s9], [sflag:$0x9] =	stream.linear.gather [hbm4b:s31+s3], $0x2000, $0x38;
	[tilespmem:$0x14000] =	vst v63  }
0x41: {  	_ =	swait.ge [sflag:s7], $0x2000  }
0x42: {  	[sflag:s7] =	ssyncset.done $0x0  }
0x43: {  	[sflag:s7] =	ssyncadd.s32 $0xFFFFE000  }
0x44: {  	v3 =	vld [tilespmem:s28+$0xFFFFFE80];
	_ =	sdelay $0x4  }
0x45: {  	v57 =	vshll.u32 v3, $0x2  }
0x46: {  	v3 =	vand.u32 $0x7, v3;
	v4 =	vand.u32 $0xFFFFFFE0, v57  }
0x47: {  	v3 =	vor.u32 v3, v4  }
0x48: {  	v4 =	vperm.xlane v3, v0;
	_ =	sdelay $0x1  }
0x49: {  	v4 =	vadd.s32 v1, v4;
	_ =	sdelay $0x1  }
0x4a: {  	v3 =	vperm.xlane v3, v2;
	_ =	sdelay $0x1  }
0x4b: {  	v3 =	vadd.s32 v1, v3  }
0x4c: {  	[hbm4b:s2+s3] =	stream.indirect_vreg.scatter [tilespmem:s9], [sflag:$0x2], $0x80, v4, vm0, $0xb8;
	[tilespmem:$0x14000] =	vst v63  }
0x4d: {  	s0 =	rddreg [dreg:$0x8]  }
0x4e: {  	[hbm4b:s5+s3] =	stream.indirect_vreg.scatter [tilespmem:s0], [sflag:$0x2], $0x80, v4, vm0, $0xb8;
	[tilespmem:$0x14000] =	vst v63  }
0x4f: {  	s31 =	rddreg [dreg:$0x9]  }
0x50: {  	[hbm4b:s2+s3] =	stream.indirect_vreg.scatter [tilespmem:s31], [sflag:$0x2], $0x80, v3, vm0, $0xb8;
	[tilespmem:$0x14000] =	vst v63  }
0x51: {  	s0 =	rddreg [dreg:$0xa]  }
0x52: {  	[hbm4b:s5+s3] =	stream.indirect_vreg.scatter [tilespmem:s0], [sflag:$0x2], $0x80, v3, vm0, $0xb8;
	[tilespmem:$0x14000] =	vst v63  }
0x53: {  	s0 =	simm.s32 @!p0 $0x3  }
0x54: {  	_ =	swait.ge @!p0 [sflag:s0], $0x2000  }
0x55: {  	[sflag:s0] =	ssyncset.done @!p0 $0x0  }
0x56: {  	s31 =	sadd.s32 $0x800, s30;
	[sflag:s0] =	ssyncadd.s32 @!p0 $0xFFFFE000  }
0x57: {  	[tilespmem:s10], [sflag:$0x9] =	stream.linear.gather [hbm4b:s31+s3], $0x2000, $0x38;
	[tilespmem:$0x14000] =	vst v63  }
0x58: {  	_ =	swait.ge [sflag:s7], $0x2000  }
0x59: {  	[sflag:s7] =	ssyncset.done $0x0  }
0x5a: {  	[sflag:s7] =	ssyncadd.s32 $0xFFFFE000  }
0x5b: {  	v3 =	vld [tilespmem:s28+$0xFFFFFF00];
	_ =	sdelay $0x4  }
0x5c: {  	v58 =	vshll.u32 v3, $0x2  }
0x5d: {  	v3 =	vand.u32 $0x7, v3;
	v4 =	vand.u32 $0xFFFFFFE0, v58  }
0x5e: {  	v3 =	vor.u32 v3, v4  }
0x5f: {  	v4 =	vperm.xlane v3, v0;
	_ =	sdelay $0x1  }
0x60: {  	v4 =	vadd.s32 v1, v4;
	_ =	sdelay $0x1  }
0x61: {  	v3 =	vperm.xlane v3, v2;
	_ =	sdelay $0x1  }
0x62: {  	v3 =	vadd.s32 v1, v3  }
0x63: {  	[hbm4b:s2+s3] =	stream.indirect_vreg.scatter [tilespmem:s10], [sflag:$0x3], $0x80, v4, vm0, $0xb8;
	[tilespmem:$0x14000] =	vst v63  }
0x64: {  	s0 =	rddreg [dreg:$0xb]  }
0x65: {  	[hbm4b:s5+s3] =	stream.indirect_vreg.scatter [tilespmem:s0], [sflag:$0x3], $0x80, v4, vm0, $0xb8;
	[tilespmem:$0x14000] =	vst v63  }
0x66: {  	s31 =	rddreg [dreg:$0xc]  }
0x67: {  	[hbm4b:s2+s3] =	stream.indirect_vreg.scatter [tilespmem:s31], [sflag:$0x3], $0x80, v3, vm0, $0xb8;
	[tilespmem:$0x14000] =	vst v63  }
0x68: {  	s0 =	rddreg [dreg:$0xd]  }
0x69: {  	[hbm4b:s5+s3] =	stream.indirect_vreg.scatter [tilespmem:s0], [sflag:$0x3], $0x80, v3, vm0, $0xb8;
	[tilespmem:$0x14000] =	vst v63  }
0x6a: {  	s0 =	simm.s32 @!p0 $0x4  }
0x6b: {  	_ =	swait.ge @!p0 [sflag:s0], $0x2000  }
0x6c: {  	[sflag:s0] =	ssyncset.done @!p0 $0x0  }
0x6d: {  	s31 =	sadd.s32 $0xC00, s30;
	[sflag:s0] =	ssyncadd.s32 @!p0 $0xFFFFE000  }
0x6e: {  	[tilespmem:s11], [sflag:$0x9] =	stream.linear.gather [hbm4b:s31+s3], $0x2000, $0x38;
	[tilespmem:$0x14000] =	vst v63  }
0x6f: {  	_ =	swait.ge [sflag:s7], $0x2000  }
0x70: {  	[sflag:s7] =	ssyncset.done $0x0  }
0x71: {  	[sflag:s7] =	ssyncadd.s32 $0xFFFFE000  }
0x72: {  	v3 =	vld [tilespmem:s28+$0xFFFFFF80];
	_ =	sdelay $0x4  }
0x73: {  	v59 =	vshll.u32 v3, $0x2  }
0x74: {  	v3 =	vand.u32 $0x7, v3;
	v4 =	vand.u32 $0xFFFFFFE0, v59  }
0x75: {  	v3 =	vor.u32 v3, v4  }
0x76: {  	v4 =	vperm.xlane v3, v0;
	_ =	sdelay $0x1  }
0x77: {  	v4 =	vadd.s32 v1, v4;
	_ =	sdelay $0x1  }
0x78: {  	v3 =	vperm.xlane v3, v2;
	_ =	sdelay $0x1  }
0x79: {  	v3 =	vadd.s32 v1, v3  }
0x7a: {  	[hbm4b:s2+s3] =	stream.indirect_vreg.scatter [tilespmem:s11], [sflag:$0x4], $0x80, v4, vm0, $0xb8;
	[tilespmem:$0x14000] =	vst v63  }
0x7b: {  	s0 =	rddreg [dreg:$0xe]  }
0x7c: {  	[hbm4b:s5+s3] =	stream.indirect_vreg.scatter [tilespmem:s0], [sflag:$0x4], $0x80, v4, vm0, $0xb8;
	[tilespmem:$0x14000] =	vst v63  }
0x7d: {  	s31 =	rddreg [dreg:$0xf]  }
0x7e: {  	[hbm4b:s2+s3] =	stream.indirect_vreg.scatter [tilespmem:s31], [sflag:$0x4], $0x80, v3, vm0, $0xb8;
	[tilespmem:$0x14000] =	vst v63  }
0x7f: {  	s0 =	rddreg [dreg:$0x10]  }
0x80: {  	[hbm4b:s5+s3] =	stream.indirect_vreg.scatter [tilespmem:s0], [sflag:$0x4], $0x80, v3, vm0, $0xb8;
	[tilespmem:$0x14000] =	vst v63  }
0x81: {  	s0 =	simm.s32 @!p0 $0x5  }
0x82: {  	_ =	swait.ge @!p0 [sflag:s0], $0x2000  }
0x83: {  	[sflag:s0] =	ssyncset.done @!p0 $0x0  }
0x84: {  	s31 =	sadd.s32 $0x1000, s30;
	[sflag:s0] =	ssyncadd.s32 @!p0 $0xFFFFE000  }
0x85: {  	[tilespmem:s12], [sflag:$0x9] =	stream.linear.gather [hbm4b:s31+s3], $0x2000, $0x38;
	[tilespmem:$0x14000] =	vst v63  }
0x86: {  	_ =	swait.ge [sflag:s7], $0x2000  }
0x87: {  	[sflag:s7] =	ssyncset.done $0x0  }
0x88: {  	[sflag:s7] =	ssyncadd.s32 $0xFFFFE000  }
0x89: {  	v3 =	vld [tilespmem:s28+$0x0];
	_ =	sdelay $0x4  }
0x8a: {  	v60 =	vshll.u32 v3, $0x2  }
0x8b: {  	v3 =	vand.u32 $0x7, v3;
	v4 =	vand.u32 $0xFFFFFFE0, v60  }
0x8c: {  	v3 =	vor.u32 v3, v4  }
0x8d: {  	v4 =	vperm.xlane v3, v0;
	_ =	sdelay $0x1  }
0x8e: {  	v4 =	vadd.s32 v1, v4;
	_ =	sdelay $0x1  }
0x8f: {  	v3 =	vperm.xlane v3, v2;
	_ =	sdelay $0x1  }
0x90: {  	v3 =	vadd.s32 v1, v3  }
0x91: {  	[hbm4b:s2+s3] =	stream.indirect_vreg.scatter [tilespmem:s12], [sflag:$0x5], $0x80, v4, vm0, $0xb8;
	[tilespmem:$0x14000] =	vst v63  }
0x92: {  	s0 =	rddreg [dreg:$0x11]  }
0x93: {  	[hbm4b:s5+s3] =	stream.indirect_vreg.scatter [tilespmem:s0], [sflag:$0x5], $0x80, v4, vm0, $0xb8;
	[tilespmem:$0x14000] =	vst v63  }
0x94: {  	s31 =	rddreg [dreg:$0x12]  }
0x95: {  	[hbm4b:s2+s3] =	stream.indirect_vreg.scatter [tilespmem:s31], [sflag:$0x5], $0x80, v3, vm0, $0xb8;
	[tilespmem:$0x14000] =	vst v63  }
0x96: {  	s0 =	rddreg [dreg:$0x13]  }
0x97: {  	[hbm4b:s5+s3] =	stream.indirect_vreg.scatter [tilespmem:s0], [sflag:$0x5], $0x80, v3, vm0, $0xb8;
	[tilespmem:$0x14000] =	vst v63  }
0x98: {  	s0 =	simm.s32 @!p0 $0x6  }
0x99: {  	_ =	swait.ge @!p0 [sflag:s0], $0x2000  }
0x9a: {  	[sflag:s0] =	ssyncset.done @!p0 $0x0  }
0x9b: {  	s31 =	sadd.s32 $0x1400, s30;
	[sflag:s0] =	ssyncadd.s32 @!p0 $0xFFFFE000  }
0x9c: {  	[tilespmem:s13], [sflag:$0x9] =	stream.linear.gather [hbm4b:s31+s3], $0x2000, $0x38;
	[tilespmem:$0x14000] =	vst v63  }
0x9d: {  	_ =	swait.ge [sflag:s7], $0x2000  }
0x9e: {  	[sflag:s7] =	ssyncset.done $0x0  }
0x9f: {  	[sflag:s7] =	ssyncadd.s32 $0xFFFFE000  }
0xa0: {  	v3 =	vld [tilespmem:s28+$0x80];
	_ =	sdelay $0x4  }
0xa1: {  	v61 =	vshll.u32 v3, $0x2  }
0xa2: {  	v3 =	vand.u32 $0x7, v3;
	v4 =	vand.u32 $0xFFFFFFE0, v61  }
0xa3: {  	v3 =	vor.u32 v3, v4  }
0xa4: {  	v4 =	vperm.xlane v3, v0;
	_ =	sdelay $0x1  }
0xa5: {  	v4 =	vadd.s32 v1, v4;
	_ =	sdelay $0x1  }
0xa6: {  	v3 =	vperm.xlane v3, v2;
	_ =	sdelay $0x1  }
0xa7: {  	v3 =	vadd.s32 v1, v3  }
0xa8: {  	[hbm4b:s2+s3] =	stream.indirect_vreg.scatter [tilespmem:s13], [sflag:$0x6], $0x80, v4, vm0, $0xb8;
	[tilespmem:$0x14000] =	vst v63  }
0xa9: {  	s0 =	rddreg [dreg:$0x14]  }
0xaa: {  	[hbm4b:s5+s3] =	stream.indirect_vreg.scatter [tilespmem:s0], [sflag:$0x6], $0x80, v4, vm0, $0xb8;
	[tilespmem:$0x14000] =	vst v63  }
0xab: {  	s31 =	rddreg [dreg:$0x15]  }
0xac: {  	[hbm4b:s2+s3] =	stream.indirect_vreg.scatter [tilespmem:s31], [sflag:$0x6], $0x80, v3, vm0, $0xb8;
	[tilespmem:$0x14000] =	vst v63  }
0xad: {  	s0 =	rddreg [dreg:$0x16]  }
0xae: {  	[hbm4b:s5+s3] =	stream.indirect_vreg.scatter [tilespmem:s0], [sflag:$0x6], $0x80, v3, vm0, $0xb8;
	[tilespmem:$0x14000] =	vst v63  }
0xaf: {  	s0 =	simm.s32 @!p0 $0x7  }
0xb0: {  	_ =	swait.ge @!p0 [sflag:s0], $0x2000  }
0xb1: {  	[sflag:s0] =	ssyncset.done @!p0 $0x0  }
0xb2: {  	s31 =	sadd.s32 $0x1800, s30;
	[sflag:s0] =	ssyncadd.s32 @!p0 $0xFFFFE000  }
0xb3: {  	[tilespmem:s14], [sflag:$0x9] =	stream.linear.gather [hbm4b:s31+s3], $0x2000, $0x38;
	[tilespmem:$0x14000] =	vst v63  }
0xb4: {  	_ =	swait.ge [sflag:s7], $0x2000  }
0xb5: {  	[sflag:s7] =	ssyncset.done $0x0  }
0xb6: {  	[sflag:s7] =	ssyncadd.s32 $0xFFFFE000  }
0xb7: {  	v3 =	vld [tilespmem:s28+$0x100];
	_ =	sdelay $0x4  }
0xb8: {  	v62 =	vshll.u32 v3, $0x2  }
0xb9: {  	v3 =	vand.u32 $0x7, v3;
	v4 =	vand.u32 $0xFFFFFFE0, v62  }
0xba: {  	v3 =	vor.u32 v3, v4  }
0xbb: {  	v4 =	vperm.xlane v3, v0;
	_ =	sdelay $0x1  }
0xbc: {  	v4 =	vadd.s32 v1, v4;
	_ =	sdelay $0x1  }
0xbd: {  	v3 =	vperm.xlane v3, v2;
	_ =	sdelay $0x1  }
0xbe: {  	v3 =	vadd.s32 v1, v3  }
0xbf: {  	[hbm4b:s2+s3] =	stream.indirect_vreg.scatter [tilespmem:s14], [sflag:$0x7], $0x80, v4, vm0, $0xb8;
	[tilespmem:$0x14000] =	vst v63  }
0xc0: {  	s0 =	rddreg [dreg:$0x17]  }
0xc1: {  	[hbm4b:s5+s3] =	stream.indirect_vreg.scatter [tilespmem:s0], [sflag:$0x7], $0x80, v4, vm0, $0xb8;
	[tilespmem:$0x14000] =	vst v63  }
0xc2: {  	s31 =	rddreg [dreg:$0x18]  }
0xc3: {  	[hbm4b:s2+s3] =	stream.indirect_vreg.scatter [tilespmem:s31], [sflag:$0x7], $0x80, v3, vm0, $0xb8;
	[tilespmem:$0x14000] =	vst v63  }
0xc4: {  	s0 =	rddreg [dreg:$0x19]  }
0xc5: {  	[hbm4b:s5+s3] =	stream.indirect_vreg.scatter [tilespmem:s0], [sflag:$0x7], $0x80, v3, vm0, $0xb8;
	[tilespmem:$0x14000] =	vst v63  }
0xc6: {  	s0 =	simm.s32 @!p0 $0x8  }
0xc7: {  	_ =	swait.ge @!p0 [sflag:s0], $0x2000  }
0xc8: {  	[sflag:s0] =	ssyncset.done @!p0 $0x0  }
0xc9: {  	s30 =	sadd.s32 $0x1C00, s30;
	[sflag:s0] =	ssyncadd.s32 @!p0 $0xFFFFE000  }
0xca: {  	[tilespmem:s15], [sflag:$0x9] =	stream.linear.gather [hbm4b:s30+s3], $0x2000, $0x38;
	[tilespmem:$0x14000] =	vst v63  }
0xcb: {  	_ =	swait.ge [sflag:s7], $0x2000  }
0xcc: {  	[sflag:s7] =	ssyncset.done $0x0  }
0xcd: {  	[sflag:s7] =	ssyncadd.s32 $0xFFFFE000  }
0xce: {  	v3 =	vld [tilespmem:s28+$0x180];
	_ =	sdelay $0x4  }
0xcf: {  	v63 =	vshll.u32 v3, $0x2  }
0xd0: {  	v3 =	vand.u32 $0x7, v3;
	v4 =	vand.u32 $0xFFFFFFE0, v63  }
0xd1: {  	v3 =	vor.u32 v3, v4  }
0xd2: {  	v4 =	vperm.xlane v3, v0;
	_ =	sdelay $0x1  }
0xd3: {  	v4 =	vadd.s32 v1, v4;
	_ =	sdelay $0x2  }
0xd4: {  	v3 =	vperm.xlane v3, v2  }
0xd5: {  	s29 =	sadd.s32 $0x2000, s29  }
0xd6: {  	v3 =	vadd.s32 v1, v3;
	[hbm4b:s2+s3] =	stream.indirect_vreg.scatter [tilespmem:s15], [sflag:$0x8], $0x80, v4, vm0, $0xb8;
	[tilespmem:$0x14000] =	vst v63  }
0xd7: {  	p0 =	sne.s32 s29, $0x20000;
	s31 =	rddreg [dreg:$0x1a]  }
0xd8: {  	[hbm4b:s5+s3] =	stream.indirect_vreg.scatter [tilespmem:s31], [sflag:$0x8], $0x80, v4, vm0, $0xb8;
	[tilespmem:$0x14000] =	vst v63  }
.Ltmp0:
0xd9: {  	_ = 	snop;
	(pc) =	sbr.rel @p0 .LBB2_2-.Ltmp0, $4  }
0xda: {  	_ = 	snop  }
0xdb: {  	[hbm4b:s2+s3] =	stream.indirect_vreg.scatter [tilespmem:s16], [sflag:$0x8], $0x80, v3, vm0, $0xb8;
	[tilespmem:$0x14000] =	vst v63  }
0xdc: {  	s28 =	sadd.s32 $0x400, s28  }
0xdd: {  	[hbm4b:s5+s3] =	stream.indirect_vreg.scatter [tilespmem:s17], [sflag:$0x8], $0x80, v3, vm0, $0xb8;
	[tilespmem:$0x14000] =	vst v63  }
0xde: {  	_ =	swait.ge [sflag:s18], $0x2000  }
0xdf: {  	[sflag:s18] =	ssyncset.done $0x0  }
0xe0: {  	[sflag:s18] =	ssyncadd.s32 $0xFFFFE000  }
0xe1: {  	_ =	swait.ge [sflag:s19], $0x2000  }
0xe2: {  	[sflag:s19] =	ssyncset.done $0x0  }
0xe3: {  	[sflag:s19] =	ssyncadd.s32 $0xFFFFE000  }
0xe4: {  	_ =	swait.ge [sflag:s20], $0x2000  }
0xe5: {  	[sflag:s20] =	ssyncset.done $0x0  }
0xe6: {  	[sflag:s20] =	ssyncadd.s32 $0xFFFFE000  }
0xe7: {  	_ =	swait.ge [sflag:s21], $0x2000  }
0xe8: {  	[sflag:s21] =	ssyncset.done $0x0  }
0xe9: {  	[sflag:s21] =	ssyncadd.s32 $0xFFFFE000  }
0xea: {  	_ =	swait.ge [sflag:s22], $0x2000  }
0xeb: {  	[sflag:s22] =	ssyncset.done $0x0  }
0xec: {  	[sflag:s22] =	ssyncadd.s32 $0xFFFFE000  }
0xed: {  	_ =	swait.ge [sflag:s23], $0x2000  }
0xee: {  	[sflag:s23] =	ssyncset.done $0x0  }
0xef: {  	s26 =	sadd.s32 $0x1, s26;
	[sflag:s23] =	ssyncadd.s32 $0xFFFFE000  }
0xf0: {  	p0 =	sne.s32 s26, s6;
	_ =	swait.ge [sflag:s24], $0x2000  }
.Ltmp1:
0xf1: {  	[sflag:s24] =	ssyncset.done $0x0;
	(pc) =	sbr.rel @p0 .LBB2_1-.Ltmp1, $4  }
0xf2: {  	[sflag:s24] =	ssyncadd.s32 $0xFFFFE000  }
0xf3: {  	_ =	swait.ge [sflag:s25], $0x2000  }
0xf4: {  	[sflag:s25] =	ssyncset.done $0x0  }
0xf5: {  	[sflag:s25] =	ssyncadd.s32 $0xFFFFE000  }
0xf6: {  	_ =	sfence.sel $0x180000  }
0xf7: {  	[bflag:$0x0] =	sbarrier.arrive $0xFFFF  }
0xf8: {  	_ =	strace $0x90000047  }
0xf9: {  	[bflag:$0x2] =	sbarrier.arrive $0xFFFF  }
0xfa: {  	p0 =	sne.s32 s1, $0x0;
	s0 =	rddreg [dreg:$0x3]  }
0xfb: {  	s0 =	sadd.s32 @!p0 $0x100000, s0  }
0xfc: {  	[sflag:s0] =	ssyncadd.tile.s32 @!p0 $0x1;
	_ =	shalt  }
.Lfunc_end2:
_tile_overlayer_lowered:
.L_overlay_start_2:
0xfd: {  	(tag) =	ssettag $0x2  }
0xfe: {  	s0 =	rddreg [dreg:$0x0];
	s2 =	stileid.u32  }
0xff: {  	s1 =	rddreg [dreg:$0x1];
	p0 =	sne.s32 s2, $0x0  }
0x100: {  	s3 =	rddreg [dreg:$0x2];
	[bflag:$0x3] =	sbarrier.arrive $0xFFFF;
	s2 =	simm.s32 @!p0 $0x1C09  }
0x101: {  	[timem:s3], [sflag:s2] =	dma.local @!p0 [hbm:s0], s1  }
0x102: {  	s0 =	simm.s32 @!p0 $0x9  }
0x103: {  	_ =	swait.ge @!p0 [sflag:s0], s1  }
0x104: {  	s1 =	ssub.s32 @!p0 $0x0, s1;
	[sflag:s0] =	ssyncset.done @!p0 $0x0  }
0x105: {  	[sflag:s0] =	ssyncadd.s32 @!p0 s1  }
0x106: {  	[bflag:$0x3] =	sbarrier.arrive $0xFFFF  }
0x107: {  	_ =	shalt  }

</sc_bundles>
